<compile_context>
chip_gen: v7x
topology: tpu7x:2x2x1
jax: 0.10.2.dev20260603
libtpu: 0.0.44.dev20260713+nightly
codegen_flags: <defaults>
</compile_context>

<pallas_src>
import functools

import jax
import jax.numpy as jnp
from jax import lax
from jax.experimental import pallas as pl
from jax.experimental.pallas import tpu as pltpu
from jax.experimental.pallas import tpu_sc as plsc

_DIM = 768
_E = 64
_K = 8
_N = 32768
_T = 256
_G = _N // _T
_FLAT = _N * _K
_NW = 32
_CHUNK = _FLAT // _NW
_LANES = 16


def _router_body(x_ref, wt_ref, w_out, e_out, r_out, cnt_out, base_out, run_ref):
    g = pl.program_id(0)

    @pl.when(g == 0)
    def _():
        run_ref[...] = jnp.zeros_like(run_ref)

    logits = jnp.dot(x_ref[...], wt_ref[...], preferred_element_type=jnp.float32)
    lt = logits.T
    m = jnp.max(lt, axis=0, keepdims=True)
    p = jnp.exp(lt - m)
    denom = jnp.sum(p, axis=0, keepdims=True)

    laneT = lax.broadcasted_iota(jnp.int32, (_E, _T), 0)
    lpriT = (63 - laneT).astype(jnp.float32)
    masks, vals = [], []
    cur = p
    for _ in range(_K):
        mx = jnp.max(cur, axis=0, keepdims=True)
        eqm = cur == mx
        tb = jnp.max(jnp.where(eqm, lpriT, -1.0), axis=0, keepdims=True)
        mask = lpriT == tb
        cur = jnp.where(mask, -1.0, cur)
        masks.append(mask)
        vals.append(mx)
    selT = (cur < 0.0).astype(jnp.float32)

    rows = lax.broadcasted_iota(jnp.int32, (_T, _T), 0)
    cols = lax.broadcasted_iota(jnp.int32, (_T, _T), 1)
    sut = (rows < cols).astype(jnp.float32)
    prefixT = jnp.dot(selT, sut, preferred_element_type=jnp.float32)
    run_col = run_ref[...]
    rankmatT = run_col + prefixT

    payloadT = rankmatT * 64.0 + laneT.astype(jnp.float32)
    pays = [jnp.sum(jnp.where(mk, payloadT, 0.0), axis=0, keepdims=True)
            for mk in masks]
    pay8 = jnp.concatenate(pays, axis=0)
    e8T = lax.bitcast_convert_type(pay8.astype(jnp.int32) & 63, jnp.float32)
    r8T = lax.bitcast_convert_type(pay8.astype(jnp.int32) >> 6, jnp.float32)
    w8T = jnp.concatenate(vals, axis=0) / denom

    w_out[...] = w8T.T
    e_out[...] = lax.bitcast_convert_type(e8T.T, jnp.int32)
    r_out[...] = lax.bitcast_convert_type(r8T.T, jnp.int32)

    counts_tile = jnp.sum(selT, axis=1, keepdims=True)
    new_run = run_col + counts_tile
    run_ref[...] = new_run

    @pl.when(g == _G - 1)
    def _():
        cnt = new_run.astype(jnp.int32).T
        cnt_out[...] = cnt
        z1 = jnp.zeros((1, 1), jnp.int32)
        b = jnp.concatenate([z1, cnt[:, :-1]], axis=1)
        for sh in (1, 2, 4, 8, 16, 32):
            zs = jnp.zeros((1, sh), jnp.int32)
            b = b + jnp.concatenate([zs, b[:, :-sh]], axis=1)
        base_out[...] = b


_router_call = pl.pallas_call(
    _router_body,
    grid=(_G,),
    in_specs=[
        pl.BlockSpec((_T, _DIM), lambda g: (g, 0)),
        pl.BlockSpec((_DIM, _E), lambda g: (0, 0)),
    ],
    out_specs=[
        pl.BlockSpec((_T, _K), lambda g: (g, 0)),
        pl.BlockSpec((_T, _K), lambda g: (g, 0)),
        pl.BlockSpec((_T, _K), lambda g: (g, 0)),
        pl.BlockSpec((1, _E), lambda g: (0, 0)),
        pl.BlockSpec((1, _E), lambda g: (0, 0)),
    ],
    out_shape=[
        jax.ShapeDtypeStruct((_N, _K), jnp.float32),
        jax.ShapeDtypeStruct((_N, _K), jnp.int32),
        jax.ShapeDtypeStruct((_N, _K), jnp.int32),
        jax.ShapeDtypeStruct((1, _E), jnp.int32),
        jax.ShapeDtypeStruct((1, _E), jnp.int32),
    ],
    scratch_shapes=[pltpu.VMEM((_E, 1), jnp.float32)],
    compiler_params=pltpu.CompilerParams(
        dimension_semantics=("arbitrary",)),
)


@functools.cache
def _permute_call():
    sub = _FLAT // 16
    wb = _FLAT // 32

    @functools.partial(
        pl.kernel,
        mesh=plsc.VectorSubcoreMesh(core_axis_name="c", subcore_axis_name="s",
                                    num_cores=2, num_subcores=16),
        out_type=[
            jax.ShapeDtypeStruct((_FLAT,), jnp.int32),
            jax.ShapeDtypeStruct((_FLAT,), jnp.int32),
        ],
        scratch_types=[
            pltpu.VMEM((sub,), jnp.int32),
            pltpu.VMEM((sub,), jnp.int32),
            pltpu.VMEM((sub,), jnp.int32),
            pltpu.VMEM((sub,), jnp.int32),
            pltpu.VMEM((sub,), jnp.int32),
            pltpu.VMEM((_E,), jnp.int32),
            pltpu.VMEM_SHARED((_FLAT,), jnp.int32),
            pltpu.VMEM_SHARED((_E,), jnp.int32),
            pltpu.SemaphoreType.DMA,
        ],
    )
    def permute(e_hbm, r_hbm, b_hbm, iota_hbm, gather_hbm, scatter_hbm,
                ev, rv, bv, sv, iv, bt, buf, base_sh, sem):
        cid = lax.axis_index("c")
        sid = lax.axis_index("s")
        start = sid * sub

        @pl.when(sid == 0)
        def _():
            pltpu.sync_copy(b_hbm, bt)
            pltpu.sync_copy(bt, base_sh)

        pltpu.sync_copy(e_hbm.at[pl.ds(start, sub)], ev)
        pltpu.sync_copy(r_hbm.at[pl.ds(start, sub)], rv)
        pltpu.sync_copy(iota_hbm.at[pl.ds(start, sub)], iv)
        plsc.subcore_barrier()
        pltpu.async_copy(base_sh.at[ev], bv, sem).wait()

        def body(i, carry):
            off = i * _LANES
            sv[pl.ds(off, _LANES)] = bv[pl.ds(off, _LANES)] + rv[pl.ds(off, _LANES)]
            return carry

        lax.fori_loop(0, sub // _LANES, body, 0, unroll=8)

        @pl.when(cid == 0)
        def _():
            pltpu.sync_copy(sv, scatter_hbm.at[pl.ds(start, sub)])

        pltpu.sync_copy(iv, buf.at[sv])
        plsc.subcore_barrier()
        off = cid * (_FLAT // 2) + sid * wb
        pltpu.sync_copy(buf.at[pl.ds(off, wb)], gather_hbm.at[pl.ds(off, wb)])

    return permute


def kernel(x, W):
    x = x.reshape(-1, _DIM)
    w8, e8, r8, cnt, base = _router_call(x, W.T)
    iota = jnp.arange(_FLAT, dtype=jnp.int32)
    gather, scatter = _permute_call()(
        e8.reshape(-1), r8.reshape(-1), base.reshape(-1), iota)
    return w8.reshape(-1), gather, scatter, cnt.reshape(-1)

# --- scband reference (transcript-rebuilt; emitter-appended) ---
"""Pipeline reference for scband-token-choice-top-krouter-35751307772686 (READ-ONLY COPY).

The authoritative reference and input builder live on the scoring server;
editing this copy changes nothing except your own understanding.
"""

import jax, jax.numpy as jnp
import numpy as np

DIM = 768
NUM_EXPERTS = 64
TOPK = 8
NTOK = 32768


def setup_inputs(seed: int = 0) -> dict:
    key = jax.random.key(seed)
    k1, k2 = jax.random.split(key)
    x = jax.random.normal(k1, (NTOK, DIM), dtype=jnp.float32)
    # gate weight: nn.Linear(dim, num_experts, bias=False) -> weight [num_experts, dim]
    W = jax.random.normal(k2, (NUM_EXPERTS, DIM), dtype=jnp.float32) * 0.02
    return {"x": x, "W": W}


def reference(x, W):
    x = x.reshape(-1, DIM)
    # gate: router logits
    router_logits = x @ W.T  # [NTOK, NUM_EXPERTS]
    # score_fn == 'softmax' in float32
    routing_weights = jax.nn.softmax(router_logits.astype(jnp.float32), axis=-1)
    # top-k selection
    routing_weights, selected_experts = jax.lax.top_k(routing_weights, TOPK)
    # norm_topk_prob is False -> no renorm
    routing_weights = routing_weights.astype(x.dtype)
    # calculate_permutation_indices (no-grad section)
    flat_sel = selected_experts.reshape(-1)
    # torch.histc(bins=num_experts, min=0, max=num_experts) with integer expert ids == bincount
    num_tokens_per_expert = jnp.bincount(flat_sel, length=NUM_EXPERTS)
    gather_indices = jnp.argsort(flat_sel, stable=True)
    scatter_indices = jnp.argsort(gather_indices)
    return (
        routing_weights.reshape(-1),
        gather_indices.reshape(-1),
        scatter_indices.reshape(-1),
        num_tokens_per_expert,
    )

if __name__ == "__main__":
    import jax
    _d = setup_inputs()
    print(jax.jit(kernel)(*tuple(_d.values())))

</pallas_src>

<mosaic_0001>
#map = affine_map<(d0, d1) -> (0)>
module attributes {stable_mosaic.version = 14 : i64} {
  func.func @permute(%arg0: i32, %arg1: i32, %arg2: memref<262144xi32, #tpu.memory_space<hbm>>, %arg3: memref<262144xi32, #tpu.memory_space<hbm>>, %arg4: memref<64xi32, #tpu.memory_space<hbm>>, %arg5: memref<262144xi32, #tpu.memory_space<hbm>>, %arg6: memref<262144xi32, #tpu.memory_space<hbm>>, %arg7: memref<262144xi32, #tpu.memory_space<hbm>>, %arg8: memref<16384xi32, #tpu.memory_space<vmem>>, %arg9: memref<16384xi32, #tpu.memory_space<vmem>>, %arg10: memref<16384xi32, #tpu.memory_space<vmem>>, %arg11: memref<16384xi32, #tpu.memory_space<vmem>>, %arg12: memref<16384xi32, #tpu.memory_space<vmem>>, %arg13: memref<64xi32, #tpu.memory_space<vmem>>, %arg14: memref<262144xi32, #tpu.memory_space<vmem_shared>>, %arg15: memref<64xi32, #tpu.memory_space<vmem_shared>>, %arg16: memref<!tpu.dma_semaphore, #tpu.memory_space<semaphore_mem>>) attributes {dimension_semantics = [#tpu.dimension_semantics<core_parallel>, #tpu.dimension_semantics<subcore_parallel>], iteration_bounds = array<i64: 2, 16>, scalar_prefetch = 0 : i64, scratch_operands = 9 : i64, tpu.core_type = #tpu.core_type<sc_vector_subcore>, window_params = [{transform_indices = #map}, {transform_indices = #map}, {transform_indices = #map}, {transform_indices = #map}, {transform_indices = #map}, {transform_indices = #map}]} {
    %mul3A = arith.constant 16384 : i32
    %mul3A_0 = arith.muli %arg1, %mul3A : i32
    %eq3A = arith.constant 0 : i32
    %eq3A_1 = arith.cmpi eq, %arg1, %eq3A : i32
    %convert_element_type3A = arith.extui %eq3A_1 : i1 to i32
    %cond3A = arith.constant 0 : i32
    %cond3A_2 = arith.cmpi ne, %convert_element_type3A, %cond3A : i32
    scf.if %cond3A_2 {
      "tpu.region"() ({
        %run_scoped3A = tpu.sem_alloc : memref<!tpu.dma_semaphore, #tpu.memory_space<semaphore_mem>>
        tpu.enqueue_dma source(%arg4 : memref<64xi32, #tpu.memory_space<hbm>>) target(%arg13 : memref<64xi32, #tpu.memory_space<vmem>>) target_semaphore(%run_scoped3A : memref<!tpu.dma_semaphore, #tpu.memory_space<semaphore_mem>>)
        tpu.wait_dma2 semaphore(%run_scoped3A : memref<!tpu.dma_semaphore, #tpu.memory_space<semaphore_mem>>) src(%arg4 : memref<64xi32, #tpu.memory_space<hbm>>) dst(%arg13 : memref<64xi32, #tpu.memory_space<vmem>>)
        tpu.yield
      }) : () -> ()
      "tpu.region"() ({
        %run_scoped3A = tpu.sem_alloc : memref<!tpu.dma_semaphore, #tpu.memory_space<semaphore_mem>>
        tpu.enqueue_dma source(%arg13 : memref<64xi32, #tpu.memory_space<vmem>>) target(%arg15 : memref<64xi32, #tpu.memory_space<vmem_shared>>) target_semaphore(%run_scoped3A : memref<!tpu.dma_semaphore, #tpu.memory_space<semaphore_mem>>)
        tpu.wait_dma2 semaphore(%run_scoped3A : memref<!tpu.dma_semaphore, #tpu.memory_space<semaphore_mem>>) src(%arg13 : memref<64xi32, #tpu.memory_space<vmem>>) dst(%arg15 : memref<64xi32, #tpu.memory_space<vmem_shared>>)
        tpu.yield
      }) : () -> ()
    } else {
    }
    "tpu.region"() ({
      %run_scoped3A = tpu.sem_alloc : memref<!tpu.dma_semaphore, #tpu.memory_space<semaphore_mem>>
      %dma_start3A_20 = tpu.memref_slice %arg2[%mul3A_0] : memref<262144xi32, #tpu.memory_space<hbm>> -> memref<16384xi32, #tpu.memory_space<hbm>>
      %dma_start3A_21 = tpu.memref_slice %arg2[%mul3A_0] : memref<262144xi32, #tpu.memory_space<hbm>> -> memref<16384xi32, #tpu.memory_space<hbm>>
      tpu.enqueue_dma source(%dma_start3A_21 : memref<16384xi32, #tpu.memory_space<hbm>>) target(%arg8 : memref<16384xi32, #tpu.memory_space<vmem>>) target_semaphore(%run_scoped3A : memref<!tpu.dma_semaphore, #tpu.memory_space<semaphore_mem>>)
      %dma_wait3A_22 = tpu.memref_slice %arg2[%mul3A_0] : memref<262144xi32, #tpu.memory_space<hbm>> -> memref<16384xi32, #tpu.memory_space<hbm>>
      %dma_wait3A_23 = tpu.memref_slice %arg2[%mul3A_0] : memref<262144xi32, #tpu.memory_space<hbm>> -> memref<16384xi32, #tpu.memory_space<hbm>>
      tpu.wait_dma2 semaphore(%run_scoped3A : memref<!tpu.dma_semaphore, #tpu.memory_space<semaphore_mem>>) src(%dma_wait3A_23 : memref<16384xi32, #tpu.memory_space<hbm>>) dst(%arg8 : memref<16384xi32, #tpu.memory_space<vmem>>)
      tpu.yield
    }) : () -> ()
    "tpu.region"() ({
      %run_scoped3A = tpu.sem_alloc : memref<!tpu.dma_semaphore, #tpu.memory_space<semaphore_mem>>
      %dma_start3A_20 = tpu.memref_slice %arg3[%mul3A_0] : memref<262144xi32, #tpu.memory_space<hbm>> -> memref<16384xi32, #tpu.memory_space<hbm>>
      %dma_start3A_21 = tpu.memref_slice %arg3[%mul3A_0] : memref<262144xi32, #tpu.memory_space<hbm>> -> memref<16384xi32, #tpu.memory_space<hbm>>
      tpu.enqueue_dma source(%dma_start3A_21 : memref<16384xi32, #tpu.memory_space<hbm>>) target(%arg9 : memref<16384xi32, #tpu.memory_space<vmem>>) target_semaphore(%run_scoped3A : memref<!tpu.dma_semaphore, #tpu.memory_space<semaphore_mem>>)
      %dma_wait3A_22 = tpu.memref_slice %arg3[%mul3A_0] : memref<262144xi32, #tpu.memory_space<hbm>> -> memref<16384xi32, #tpu.memory_space<hbm>>
      %dma_wait3A_23 = tpu.memref_slice %arg3[%mul3A_0] : memref<262144xi32, #tpu.memory_space<hbm>> -> memref<16384xi32, #tpu.memory_space<hbm>>
      tpu.wait_dma2 semaphore(%run_scoped3A : memref<!tpu.dma_semaphore, #tpu.memory_space<semaphore_mem>>) src(%dma_wait3A_23 : memref<16384xi32, #tpu.memory_space<hbm>>) dst(%arg9 : memref<16384xi32, #tpu.memory_space<vmem>>)
      tpu.yield
    }) : () -> ()
    "tpu.region"() ({
      %run_scoped3A = tpu.sem_alloc : memref<!tpu.dma_semaphore, #tpu.memory_space<semaphore_mem>>
      %dma_start3A_20 = tpu.memref_slice %arg5[%mul3A_0] : memref<262144xi32, #tpu.memory_space<hbm>> -> memref<16384xi32, #tpu.memory_space<hbm>>
      %dma_start3A_21 = tpu.memref_slice %arg5[%mul3A_0] : memref<262144xi32, #tpu.memory_space<hbm>> -> memref<16384xi32, #tpu.memory_space<hbm>>
      tpu.enqueue_dma source(%dma_start3A_21 : memref<16384xi32, #tpu.memory_space<hbm>>) target(%arg12 : memref<16384xi32, #tpu.memory_space<vmem>>) target_semaphore(%run_scoped3A : memref<!tpu.dma_semaphore, #tpu.memory_space<semaphore_mem>>)
      %dma_wait3A_22 = tpu.memref_slice %arg5[%mul3A_0] : memref<262144xi32, #tpu.memory_space<hbm>> -> memref<16384xi32, #tpu.memory_space<hbm>>
      %dma_wait3A_23 = tpu.memref_slice %arg5[%mul3A_0] : memref<262144xi32, #tpu.memory_space<hbm>> -> memref<16384xi32, #tpu.memory_space<hbm>>
      tpu.wait_dma2 semaphore(%run_scoped3A : memref<!tpu.dma_semaphore, #tpu.memory_space<semaphore_mem>>) src(%dma_wait3A_23 : memref<16384xi32, #tpu.memory_space<hbm>>) dst(%arg12 : memref<16384xi32, #tpu.memory_space<vmem>>)
      tpu.yield
    }) : () -> ()
    %barrier3A = arith.constant 0 : index
    tpu.barrier barrier_id(%barrier3A)
    %dma_start3A = arith.constant 0 : i32
    %dma_start3A_3 = tpu.memref_slice %arg15[%dma_start3A] : memref<64xi32, #tpu.memory_space<vmem_shared>> -> memref<64xi32, #tpu.memory_space<vmem_shared>>
    tpu.enqueue_indirect_dma source(%dma_start3A_3 : memref<64xi32, #tpu.memory_space<vmem_shared>>) target(%arg10 : memref<16384xi32, #tpu.memory_space<vmem>>) offsets(%arg8 : memref<16384xi32, #tpu.memory_space<vmem>>) semaphore(%arg16 : memref<!tpu.dma_semaphore, #tpu.memory_space<semaphore_mem>>)
    %dma_wait3A = arith.constant 0 : i32
    %dma_wait3A_4 = tpu.memref_slice %arg15[%dma_wait3A] : memref<64xi32, #tpu.memory_space<vmem_shared>> -> memref<64xi32, #tpu.memory_space<vmem_shared>>
    tpu.wait_indirect_dma semaphore(%arg16 : memref<!tpu.dma_semaphore, #tpu.memory_space<semaphore_mem>>) src(%dma_wait3A_4 : memref<64xi32, #tpu.memory_space<vmem_shared>>) dst(%arg10 : memref<16384xi32, #tpu.memory_space<vmem>>)
    %scan3A = arith.constant 0 : i32
    %scan3A_5 = arith.constant 0 : i32
    %scan3A_6 = arith.constant 1024 : i32
    %scan3A_7 = arith.addi %scan3A_5, %scan3A_6 : i32
    %scan3A_8 = arith.constant 8 : i32
    scf.for %scan3A_20 = %scan3A_5 to %scan3A_7 step %scan3A_8  : i32 {
      %mul3A_21 = arith.constant 16 : i32
      %mul3A_22 = arith.muli %scan3A_20, %mul3A_21 : i32
      %get3A = arith.index_cast %mul3A_22 : i32 to index
      %get3A_23 = tpu.vector_load %arg10[%get3A] {strides = array<i32>} : memref<16384xi32, #tpu.memory_space<vmem>>, vector<16xi32>,
      %get3A_24 = vector.shape_cast %get3A_23 : vector<16xi32> to vector<16xi32>
      %get3A_25 = arith.index_cast %mul3A_22 : i32 to index
      %get3A_26 = tpu.vector_load %arg9[%get3A_25] {strides = array<i32>} : memref<16384xi32, #tpu.memory_space<vmem>>, vector<16xi32>,
      %get3A_27 = vector.shape_cast %get3A_26 : vector<16xi32> to vector<16xi32>
      %add3A_28 = arith.addi %get3A_24, %get3A_27 : vector<16xi32>
      %swap3A = arith.index_cast %mul3A_22 : i32 to index
      %swap3A_29 = tpu.vector_load %arg11[%swap3A] {strides = array<i32>} : memref<16384xi32, #tpu.memory_space<vmem>>, vector<16xi32>,
      %swap3A_30 = vector.shape_cast %swap3A_29 : vector<16xi32> to vector<16xi32>
      %swap3A_31 = vector.shape_cast %add3A_28 : vector<16xi32> to vector<16xi32>
      tpu.vector_store %arg11[%swap3A], %swap3A_31 {strides = array<i32>} : memref<16384xi32, #tpu.memory_space<vmem>>, vector<16xi32>,
      %scan3A_32 = arith.constant 1 : i32
      %scan3A_33 = arith.addi %scan3A_20, %scan3A_32 : i32
      %mul3A_34 = arith.constant 16 : i32
      %mul3A_35 = arith.muli %scan3A_33, %mul3A_34 : i32
      %get3A_36 = arith.index_cast %mul3A_35 : i32 to index
      %get3A_37 = tpu.vector_load %arg10[%get3A_36] {strides = array<i32>} : memref<16384xi32, #tpu.memory_space<vmem>>, vector<16xi32>,
      %get3A_38 = vector.shape_cast %get3A_37 : vector<16xi32> to vector<16xi32>
      %get3A_39 = arith.index_cast %mul3A_35 : i32 to index
      %get3A_40 = tpu.vector_load %arg9[%get3A_39] {strides = array<i32>} : memref<16384xi32, #tpu.memory_space<vmem>>, vector<16xi32>,
      %get3A_41 = vector.shape_cast %get3A_40 : vector<16xi32> to vector<16xi32>
      %add3A_42 = arith.addi %get3A_38, %get3A_41 : vector<16xi32>
      %swap3A_43 = arith.index_cast %mul3A_35 : i32 to index
      %swap3A_44 = tpu.vector_load %arg11[%swap3A_43] {strides = array<i32>} : memref<16384xi32, #tpu.memory_space<vmem>>, vector<16xi32>,
      %swap3A_45 = vector.shape_cast %swap3A_44 : vector<16xi32> to vector<16xi32>
      %swap3A_46 = vector.shape_cast %add3A_42 : vector<16xi32> to vector<16xi32>
      tpu.vector_store %arg11[%swap3A_43], %swap3A_46 {strides = array<i32>} : memref<16384xi32, #tpu.memory_space<vmem>>, vector<16xi32>,
      %scan3A_47 = arith.constant 2 : i32
      %scan3A_48 = arith.addi %scan3A_20, %scan3A_47 : i32
      %mul3A_49 = arith.constant 16 : i32
      %mul3A_50 = arith.muli %scan3A_48, %mul3A_49 : i32
      %get3A_51 = arith.index_cast %mul3A_50 : i32 to index
      %get3A_52 = tpu.vector_load %arg10[%get3A_51] {strides = array<i32>} : memref<16384xi32, #tpu.memory_space<vmem>>, vector<16xi32>,
      %get3A_53 = vector.shape_cast %get3A_52 : vector<16xi32> to vector<16xi32>
      %get3A_54 = arith.index_cast %mul3A_50 : i32 to index
      %get3A_55 = tpu.vector_load %arg9[%get3A_54] {strides = array<i32>} : memref<16384xi32, #tpu.memory_space<vmem>>, vector<16xi32>,
      %get3A_56 = vector.shape_cast %get3A_55 : vector<16xi32> to vector<16xi32>
      %add3A_57 = arith.addi %get3A_53, %get3A_56 : vector<16xi32>
      %swap3A_58 = arith.index_cast %mul3A_50 : i32 to index
      %swap3A_59 = tpu.vector_load %arg11[%swap3A_58] {strides = array<i32>} : memref<16384xi32, #tpu.memory_space<vmem>>, vector<16xi32>,
      %swap3A_60 = vector.shape_cast %swap3A_59 : vector<16xi32> to vector<16xi32>
      %swap3A_61 = vector.shape_cast %add3A_57 : vector<16xi32> to vector<16xi32>
      tpu.vector_store %arg11[%swap3A_58], %swap3A_61 {strides = array<i32>} : memref<16384xi32, #tpu.memory_space<vmem>>, vector<16xi32>,
      %scan3A_62 = arith.constant 3 : i32
      %scan3A_63 = arith.addi %scan3A_20, %scan3A_62 : i32
      %mul3A_64 = arith.constant 16 : i32
      %mul3A_65 = arith.muli %scan3A_63, %mul3A_64 : i32
      %get3A_66 = arith.index_cast %mul3A_65 : i32 to index
      %get3A_67 = tpu.vector_load %arg10[%get3A_66] {strides = array<i32>} : memref<16384xi32, #tpu.memory_space<vmem>>, vector<16xi32>,
      %get3A_68 = vector.shape_cast %get3A_67 : vector<16xi32> to vector<16xi32>
      %get3A_69 = arith.index_cast %mul3A_65 : i32 to index
      %get3A_70 = tpu.vector_load %arg9[%get3A_69] {strides = array<i32>} : memref<16384xi32, #tpu.memory_space<vmem>>, vector<16xi32>,
      %get3A_71 = vector.shape_cast %get3A_70 : vector<16xi32> to vector<16xi32>
      %add3A_72 = arith.addi %get3A_68, %get3A_71 : vector<16xi32>
      %swap3A_73 = arith.index_cast %mul3A_65 : i32 to index
      %swap3A_74 = tpu.vector_load %arg11[%swap3A_73] {strides = array<i32>} : memref<16384xi32, #tpu.memory_space<vmem>>, vector<16xi32>,
      %swap3A_75 = vector.shape_cast %swap3A_74 : vector<16xi32> to vector<16xi32>
      %swap3A_76 = vector.shape_cast %add3A_72 : vector<16xi32> to vector<16xi32>
      tpu.vector_store %arg11[%swap3A_73], %swap3A_76 {strides = array<i32>} : memref<16384xi32, #tpu.memory_space<vmem>>, vector<16xi32>,
      %scan3A_77 = arith.constant 4 : i32
      %scan3A_78 = arith.addi %scan3A_20, %scan3A_77 : i32
      %mul3A_79 = arith.constant 16 : i32
      %mul3A_80 = arith.muli %scan3A_78, %mul3A_79 : i32
      %get3A_81 = arith.index_cast %mul3A_80 : i32 to index
      %get3A_82 = tpu.vector_load %arg10[%get3A_81] {strides = array<i32>} : memref<16384xi32, #tpu.memory_space<vmem>>, vector<16xi32>,
      %get3A_83 = vector.shape_cast %get3A_82 : vector<16xi32> to vector<16xi32>
      %get3A_84 = arith.index_cast %mul3A_80 : i32 to index
      %get3A_85 = tpu.vector_load %arg9[%get3A_84] {strides = array<i32>} : memref<16384xi32, #tpu.memory_space<vmem>>, vector<16xi32>,
      %get3A_86 = vector.shape_cast %get3A_85 : vector<16xi32> to vector<16xi32>
      %add3A_87 = arith.addi %get3A_83, %get3A_86 : vector<16xi32>
      %swap3A_88 = arith.index_cast %mul3A_80 : i32 to index
      %swap3A_89 = tpu.vector_load %arg11[%swap3A_88] {strides = array<i32>} : memref<16384xi32, #tpu.memory_space<vmem>>, vector<16xi32>,
      %swap3A_90 = vector.shape_cast %swap3A_89 : vector<16xi32> to vector<16xi32>
      %swap3A_91 = vector.shape_cast %add3A_87 : vector<16xi32> to vector<16xi32>
      tpu.vector_store %arg11[%swap3A_88], %swap3A_91 {strides = array<i32>} : memref<16384xi32, #tpu.memory_space<vmem>>, vector<16xi32>,
      %scan3A_92 = arith.constant 5 : i32
      %scan3A_93 = arith.addi %scan3A_20, %scan3A_92 : i32
      %mul3A_94 = arith.constant 16 : i32
      %mul3A_95 = arith.muli %scan3A_93, %mul3A_94 : i32
      %get3A_96 = arith.index_cast %mul3A_95 : i32 to index
      %get3A_97 = tpu.vector_load %arg10[%get3A_96] {strides = array<i32>} : memref<16384xi32, #tpu.memory_space<vmem>>, vector<16xi32>,
      %get3A_98 = vector.shape_cast %get3A_97 : vector<16xi32> to vector<16xi32>
      %get3A_99 = arith.index_cast %mul3A_95 : i32 to index
      %get3A_100 = tpu.vector_load %arg9[%get3A_99] {strides = array<i32>} : memref<16384xi32, #tpu.memory_space<vmem>>, vector<16xi32>,
      %get3A_101 = vector.shape_cast %get3A_100 : vector<16xi32> to vector<16xi32>
      %add3A_102 = arith.addi %get3A_98, %get3A_101 : vector<16xi32>
      %swap3A_103 = arith.index_cast %mul3A_95 : i32 to index
      %swap3A_104 = tpu.vector_load %arg11[%swap3A_103] {strides = array<i32>} : memref<16384xi32, #tpu.memory_space<vmem>>, vector<16xi32>,
      %swap3A_105 = vector.shape_cast %swap3A_104 : vector<16xi32> to vector<16xi32>
      %swap3A_106 = vector.shape_cast %add3A_102 : vector<16xi32> to vector<16xi32>
      tpu.vector_store %arg11[%swap3A_103], %swap3A_106 {strides = array<i32>} : memref<16384xi32, #tpu.memory_space<vmem>>, vector<16xi32>,
      %scan3A_107 = arith.constant 6 : i32
      %scan3A_108 = arith.addi %scan3A_20, %scan3A_107 : i32
      %mul3A_109 = arith.constant 16 : i32
      %mul3A_110 = arith.muli %scan3A_108, %mul3A_109 : i32
      %get3A_111 = arith.index_cast %mul3A_110 : i32 to index
      %get3A_112 = tpu.vector_load %arg10[%get3A_111] {strides = array<i32>} : memref<16384xi32, #tpu.memory_space<vmem>>, vector<16xi32>,
      %get3A_113 = vector.shape_cast %get3A_112 : vector<16xi32> to vector<16xi32>
      %get3A_114 = arith.index_cast %mul3A_110 : i32 to index
      %get3A_115 = tpu.vector_load %arg9[%get3A_114] {strides = array<i32>} : memref<16384xi32, #tpu.memory_space<vmem>>, vector<16xi32>,
      %get3A_116 = vector.shape_cast %get3A_115 : vector<16xi32> to vector<16xi32>
      %add3A_117 = arith.addi %get3A_113, %get3A_116 : vector<16xi32>
      %swap3A_118 = arith.index_cast %mul3A_110 : i32 to index
      %swap3A_119 = tpu.vector_load %arg11[%swap3A_118] {strides = array<i32>} : memref<16384xi32, #tpu.memory_space<vmem>>, vector<16xi32>,
      %swap3A_120 = vector.shape_cast %swap3A_119 : vector<16xi32> to vector<16xi32>
      %swap3A_121 = vector.shape_cast %add3A_117 : vector<16xi32> to vector<16xi32>
      tpu.vector_store %arg11[%swap3A_118], %swap3A_121 {strides = array<i32>} : memref<16384xi32, #tpu.memory_space<vmem>>, vector<16xi32>,
      %scan3A_122 = arith.constant 7 : i32
      %scan3A_123 = arith.addi %scan3A_20, %scan3A_122 : i32
      %mul3A_124 = arith.constant 16 : i32
      %mul3A_125 = arith.muli %scan3A_123, %mul3A_124 : i32
      %get3A_126 = arith.index_cast %mul3A_125 : i32 to index
      %get3A_127 = tpu.vector_load %arg10[%get3A_126] {strides = array<i32>} : memref<16384xi32, #tpu.memory_space<vmem>>, vector<16xi32>,
      %get3A_128 = vector.shape_cast %get3A_127 : vector<16xi32> to vector<16xi32>
      %get3A_129 = arith.index_cast %mul3A_125 : i32 to index
      %get3A_130 = tpu.vector_load %arg9[%get3A_129] {strides = array<i32>} : memref<16384xi32, #tpu.memory_space<vmem>>, vector<16xi32>,
      %get3A_131 = vector.shape_cast %get3A_130 : vector<16xi32> to vector<16xi32>
      %add3A_132 = arith.addi %get3A_128, %get3A_131 : vector<16xi32>
      %swap3A_133 = arith.index_cast %mul3A_125 : i32 to index
      %swap3A_134 = tpu.vector_load %arg11[%swap3A_133] {strides = array<i32>} : memref<16384xi32, #tpu.memory_space<vmem>>, vector<16xi32>,
      %swap3A_135 = vector.shape_cast %swap3A_134 : vector<16xi32> to vector<16xi32>
      %swap3A_136 = vector.shape_cast %add3A_132 : vector<16xi32> to vector<16xi32>
      tpu.vector_store %arg11[%swap3A_133], %swap3A_136 {strides = array<i32>} : memref<16384xi32, #tpu.memory_space<vmem>>, vector<16xi32>,
    }
    %scan3A_9 = arith.constant 1024 : i32
    %eq3A_10 = arith.constant 0 : i32
    %eq3A_11 = arith.cmpi eq, %arg0, %eq3A_10 : i32
    %convert_element_type3A_12 = arith.extui %eq3A_11 : i1 to i32
    %cond3A_13 = arith.constant 0 : i32
    %cond3A_14 = arith.cmpi ne, %convert_element_type3A_12, %cond3A_13 : i32
    scf.if %cond3A_14 {
      "tpu.region"() ({
        %run_scoped3A = tpu.sem_alloc : memref<!tpu.dma_semaphore, #tpu.memory_space<semaphore_mem>>
        %dma_start3A_20 = tpu.memref_slice %arg7[%mul3A_0] : memref<262144xi32, #tpu.memory_space<hbm>> -> memref<16384xi32, #tpu.memory_space<hbm>>
        %dma_start3A_21 = tpu.memref_slice %arg7[%mul3A_0] : memref<262144xi32, #tpu.memory_space<hbm>> -> memref<16384xi32, #tpu.memory_space<hbm>>
        tpu.enqueue_dma source(%arg11 : memref<16384xi32, #tpu.memory_space<vmem>>) target(%dma_start3A_21 : memref<16384xi32, #tpu.memory_space<hbm>>) target_semaphore(%run_scoped3A : memref<!tpu.dma_semaphore, #tpu.memory_space<semaphore_mem>>)
        %dma_wait3A_22 = tpu.memref_slice %arg7[%mul3A_0] : memref<262144xi32, #tpu.memory_space<hbm>> -> memref<16384xi32, #tpu.memory_space<hbm>>
        %dma_wait3A_23 = tpu.memref_slice %arg7[%mul3A_0] : memref<262144xi32, #tpu.memory_space<hbm>> -> memref<16384xi32, #tpu.memory_space<hbm>>
        tpu.wait_dma2 semaphore(%run_scoped3A : memref<!tpu.dma_semaphore, #tpu.memory_space<semaphore_mem>>) src(%arg11 : memref<16384xi32, #tpu.memory_space<vmem>>) dst(%dma_wait3A_23 : memref<16384xi32, #tpu.memory_space<hbm>>)
        tpu.yield
      }) : () -> ()
    } else {
    }
    "tpu.region"() ({
      %run_scoped3A = tpu.sem_alloc : memref<!tpu.dma_semaphore, #tpu.memory_space<semaphore_mem>>
      %dma_start3A_20 = arith.constant 0 : i32
      %dma_start3A_21 = tpu.memref_slice %arg14[%dma_start3A_20] : memref<262144xi32, #tpu.memory_space<vmem_shared>> -> memref<262144xi32, #tpu.memory_space<vmem_shared>>
      tpu.enqueue_indirect_dma source(%arg12 : memref<16384xi32, #tpu.memory_space<vmem>>) target(%dma_start3A_21 : memref<262144xi32, #tpu.memory_space<vmem_shared>>) offsets(%arg11 : memref<16384xi32, #tpu.memory_space<vmem>>) semaphore(%run_scoped3A : memref<!tpu.dma_semaphore, #tpu.memory_space<semaphore_mem>>)
      %dma_wait3A_22 = arith.constant 0 : i32
      %dma_wait3A_23 = tpu.memref_slice %arg14[%dma_wait3A_22] : memref<262144xi32, #tpu.memory_space<vmem_shared>> -> memref<262144xi32, #tpu.memory_space<vmem_shared>>
      tpu.wait_indirect_dma semaphore(%run_scoped3A : memref<!tpu.dma_semaphore, #tpu.memory_space<semaphore_mem>>) src(%arg12 : memref<16384xi32, #tpu.memory_space<vmem>>) dst(%dma_wait3A_23 : memref<262144xi32, #tpu.memory_space<vmem_shared>>)
      tpu.yield
    }) : () -> ()
    %barrier3A_15 = arith.constant 0 : index
    tpu.barrier barrier_id(%barrier3A_15)
    %mul3A_16 = arith.constant 131072 : i32
    %mul3A_17 = arith.muli %arg0, %mul3A_16 : i32
    %mul3A_18 = arith.constant 8192 : i32
    %mul3A_19 = arith.muli %arg1, %mul3A_18 : i32
    %add3A = arith.addi %mul3A_17, %mul3A_19 : i32
    "tpu.region"() ({
      %run_scoped3A = tpu.sem_alloc : memref<!tpu.dma_semaphore, #tpu.memory_space<semaphore_mem>>
      %dma_start3A_20 = tpu.memref_slice %arg6[%add3A] : memref<262144xi32, #tpu.memory_space<hbm>> -> memref<8192xi32, #tpu.memory_space<hbm>>
      %dma_start3A_21 = tpu.memref_slice %arg14[%add3A] : memref<262144xi32, #tpu.memory_space<vmem_shared>> -> memref<8192xi32, #tpu.memory_space<vmem_shared>>
      tpu.enqueue_dma source(%dma_start3A_21 : memref<8192xi32, #tpu.memory_space<vmem_shared>>) target(%dma_start3A_20 : memref<8192xi32, #tpu.memory_space<hbm>>) target_semaphore(%run_scoped3A : memref<!tpu.dma_semaphore, #tpu.memory_space<semaphore_mem>>)
      %dma_wait3A_22 = tpu.memref_slice %arg6[%add3A] : memref<262144xi32, #tpu.memory_space<hbm>> -> memref<8192xi32, #tpu.memory_space<hbm>>
      %dma_wait3A_23 = tpu.memref_slice %arg14[%add3A] : memref<262144xi32, #tpu.memory_space<vmem_shared>> -> memref<8192xi32, #tpu.memory_space<vmem_shared>>
      tpu.wait_dma2 semaphore(%run_scoped3A : memref<!tpu.dma_semaphore, #tpu.memory_space<semaphore_mem>>) src(%dma_wait3A_23 : memref<8192xi32, #tpu.memory_space<vmem_shared>>) dst(%dma_wait3A_22 : memref<8192xi32, #tpu.memory_space<hbm>>)
      tpu.yield
    }) : () -> ()
    return
  }
}

module attributes {stable_mosaic.version = 14 : i64} {
  func.func @_router_body(%arg0: i32, %arg1: memref<256x768xf32, #tpu.memory_space<vmem>>, %arg2: memref<768x64xf32, #tpu.memory_space<vmem>>, %arg3: memref<256x8xf32, #tpu.memory_space<vmem>>, %arg4: memref<256x8xi32, #tpu.memory_space<vmem>>, %arg5: memref<256x8xi32, #tpu.memory_space<vmem>>, %arg6: memref<1x64xi32, #tpu.memory_space<vmem>>, %arg7: memref<1x64xi32, #tpu.memory_space<vmem>>, %arg8: memref<64x1xf32, #tpu.memory_space<vmem>>) attributes {dimension_semantics = [#tpu.dimension_semantics<arbitrary>], iteration_bounds = array<i64: 128>, scalar_prefetch = 0 : i64, scratch_operands = 1 : i64, tpu.core_type = #tpu.core_type<tc>, window_params = [{transform_indices = @transform_0, window_bounds = array<i64: 256, 768>}, {pipeline_mode = #tpu.pipeline_mode<synchronous>, transform_indices = @transform_1, window_bounds = array<i64: 768, 64>}, {transform_indices = @transform_2, window_bounds = array<i64: 256, 8>}, {transform_indices = @transform_3, window_bounds = array<i64: 256, 8>}, {transform_indices = @transform_4, window_bounds = array<i64: 256, 8>}, {pipeline_mode = #tpu.pipeline_mode<synchronous>, transform_indices = @transform_5, window_bounds = array<i64: 1, 64>}, {pipeline_mode = #tpu.pipeline_mode<synchronous>, transform_indices = @transform_6, window_bounds = array<i64: 1, 64>}]} {
    %eq3A = arith.constant 0 : i32
    %eq3A_0 = arith.cmpi eq, %arg0, %eq3A : i32
    %convert_element_type3A = arith.extui %eq3A_0 : i1 to i32
    %cond3A = arith.constant 0 : i32
    %cond3A_1 = arith.cmpi ne, %convert_element_type3A, %cond3A : i32
    scf.if %cond3A_1 {
      %broadcast_in_dim3A_243 = arith.constant 0.000000e+00 : f32
      %broadcast_in_dim3A_244 = vector.broadcast %broadcast_in_dim3A_243 : f32 to vector<64x1xf32>
      %swap3A_245 = arith.constant 0 : index
      %swap3A_246 = arith.constant 0 : index
      %swap3A_247 = vector.load %arg8[%swap3A_245, %swap3A_246] : memref<64x1xf32, #tpu.memory_space<vmem>>, vector<64x1xf32>
      tpu.vector_store %arg8[%swap3A_245, %swap3A_246], %broadcast_in_dim3A_244 {strides = array<i32>} : memref<64x1xf32, #tpu.memory_space<vmem>>, vector<64x1xf32>,
    } else {
    }
    %get3A = arith.constant 0 : index
    %get3A_2 = arith.constant 0 : index
    %get3A_3 = vector.load %arg1[%get3A, %get3A_2] : memref<256x768xf32, #tpu.memory_space<vmem>>, vector<256x768xf32>
    %get3A_4 = arith.constant 0 : index
    %get3A_5 = arith.constant 0 : index
    %get3A_6 = vector.load %arg2[%get3A_4, %get3A_5] : memref<768x64xf32, #tpu.memory_space<vmem>>, vector<768x64xf32>
    %dot_general3A = arith.constant dense<0.000000e+00> : vector<256x64xf32>
    %dot_general3A_7 = tpu.matmul %get3A_3, %get3A_6, %dot_general3A {dimension_numbers = #tpu.dot_dimension_numbers<[1], [0], [0], [1], [0, 0, 1, 1], [], []>, transpose_lhs_hint = false} : vector<256x768xf32>, vector<768x64xf32>, vector<256x64xf32> -> vector<256x64xf32>
    %transpose3A = tpu.transpose %dot_general3A_7, [1, 0] : vector<256x64xf32> -> vector<64x256xf32>
    %reduce_max3A = arith.constant dense<0xFF800000> : vector<256xf32>
    %reduce_max3A_8 = vector.multi_reduction <maximumf>, %transpose3A, %reduce_max3A [0] : vector<64x256xf32> to vector<256xf32>
    %broadcast_in_dim3A = vector.shape_cast %reduce_max3A_8 : vector<256xf32> to vector<1x256xf32>
    %sub3A = vector.broadcast %broadcast_in_dim3A : vector<1x256xf32> to vector<64x256xf32>
    %sub3A_9 = arith.subf %transpose3A, %sub3A : vector<64x256xf32>
    %exp3A = math.exp %sub3A_9 : vector<64x256xf32>
    %reduce_sum3A = arith.constant dense<0.000000e+00> : vector<256xf32>
    %reduce_sum3A_10 = vector.multi_reduction <add>, %exp3A, %reduce_sum3A [0] : vector<64x256xf32> to vector<256xf32>
    %broadcast_in_dim3A_11 = vector.shape_cast %reduce_sum3A_10 : vector<256xf32> to vector<1x256xf32>
    %iota3A = tpu.iota {dimensions = array<i32: 0>} : vector<64x256xi32>
    %sub3A_12 = arith.constant 63 : i32
    %sub3A_13 = vector.broadcast %sub3A_12 : i32 to vector<64x256xi32>
    %sub3A_14 = arith.subi %sub3A_13, %iota3A : vector<64x256xi32>
    %convert_element_type3A_15 = arith.sitofp %sub3A_14 : vector<64x256xi32> to vector<64x256xf32>
    %reduce_max3A_16 = arith.constant dense<0xFF800000> : vector<256xf32>
    %reduce_max3A_17 = vector.multi_reduction <maximumf>, %exp3A, %reduce_max3A_16 [0] : vector<64x256xf32> to vector<256xf32>
    %broadcast_in_dim3A_18 = vector.shape_cast %reduce_max3A_17 : vector<256xf32> to vector<1x256xf32>
    %eq3A_19 = vector.broadcast %broadcast_in_dim3A_18 : vector<1x256xf32> to vector<64x256xf32>
    %eq3A_20 = arith.cmpf oeq, %exp3A, %eq3A_19 : vector<64x256xf32>
    %jit3A = arith.constant -1.000000e+00 : f32
    %broadcast_in_dim3A_21 = vector.broadcast %jit3A : f32 to vector<64x256xf32>
    %select_n3A = arith.select %eq3A_20, %convert_element_type3A_15, %broadcast_in_dim3A_21 : vector<64x256xi1>, vector<64x256xf32>
    %reduce_max3A_22 = arith.constant dense<0xFF800000> : vector<256xf32>
    %reduce_max3A_23 = vector.multi_reduction <maximumf>, %select_n3A, %reduce_max3A_22 [0] : vector<64x256xf32> to vector<256xf32>
    %broadcast_in_dim3A_24 = vector.shape_cast %reduce_max3A_23 : vector<256xf32> to vector<1x256xf32>
    %eq3A_25 = vector.broadcast %broadcast_in_dim3A_24 : vector<1x256xf32> to vector<64x256xf32>
    %eq3A_26 = arith.cmpf oeq, %convert_element_type3A_15, %eq3A_25 : vector<64x256xf32>
    %jit3A_27 = arith.constant -1.000000e+00 : f32
    %broadcast_in_dim3A_28 = vector.broadcast %jit3A_27 : f32 to vector<64x256xf32>
    %select_n3A_29 = arith.select %eq3A_26, %broadcast_in_dim3A_28, %exp3A : vector<64x256xi1>, vector<64x256xf32>
    %reduce_max3A_30 = arith.constant dense<0xFF800000> : vector<256xf32>
    %reduce_max3A_31 = vector.multi_reduction <maximumf>, %select_n3A_29, %reduce_max3A_30 [0] : vector<64x256xf32> to vector<256xf32>
    %broadcast_in_dim3A_32 = vector.shape_cast %reduce_max3A_31 : vector<256xf32> to vector<1x256xf32>
    %eq3A_33 = vector.broadcast %broadcast_in_dim3A_32 : vector<1x256xf32> to vector<64x256xf32>
    %eq3A_34 = arith.cmpf oeq, %select_n3A_29, %eq3A_33 : vector<64x256xf32>
    %jit3A_35 = arith.constant -1.000000e+00 : f32
    %broadcast_in_dim3A_36 = vector.broadcast %jit3A_35 : f32 to vector<64x256xf32>
    %select_n3A_37 = arith.select %eq3A_34, %convert_element_type3A_15, %broadcast_in_dim3A_36 : vector<64x256xi1>, vector<64x256xf32>
    %reduce_max3A_38 = arith.constant dense<0xFF800000> : vector<256xf32>
    %reduce_max3A_39 = vector.multi_reduction <maximumf>, %select_n3A_37, %reduce_max3A_38 [0] : vector<64x256xf32> to vector<256xf32>
    %broadcast_in_dim3A_40 = vector.shape_cast %reduce_max3A_39 : vector<256xf32> to vector<1x256xf32>
    %eq3A_41 = vector.broadcast %broadcast_in_dim3A_40 : vector<1x256xf32> to vector<64x256xf32>
    %eq3A_42 = arith.cmpf oeq, %convert_element_type3A_15, %eq3A_41 : vector<64x256xf32>
    %jit3A_43 = arith.constant -1.000000e+00 : f32
    %broadcast_in_dim3A_44 = vector.broadcast %jit3A_43 : f32 to vector<64x256xf32>
    %select_n3A_45 = arith.select %eq3A_42, %broadcast_in_dim3A_44, %select_n3A_29 : vector<64x256xi1>, vector<64x256xf32>
    %reduce_max3A_46 = arith.constant dense<0xFF800000> : vector<256xf32>
    %reduce_max3A_47 = vector.multi_reduction <maximumf>, %select_n3A_45, %reduce_max3A_46 [0] : vector<64x256xf32> to vector<256xf32>
    %broadcast_in_dim3A_48 = vector.shape_cast %reduce_max3A_47 : vector<256xf32> to vector<1x256xf32>
    %eq3A_49 = vector.broadcast %broadcast_in_dim3A_48 : vector<1x256xf32> to vector<64x256xf32>
    %eq3A_50 = arith.cmpf oeq, %select_n3A_45, %eq3A_49 : vector<64x256xf32>
    %jit3A_51 = arith.constant -1.000000e+00 : f32
    %broadcast_in_dim3A_52 = vector.broadcast %jit3A_51 : f32 to vector<64x256xf32>
    %select_n3A_53 = arith.select %eq3A_50, %convert_element_type3A_15, %broadcast_in_dim3A_52 : vector<64x256xi1>, vector<64x256xf32>
    %reduce_max3A_54 = arith.constant dense<0xFF800000> : vector<256xf32>
    %reduce_max3A_55 = vector.multi_reduction <maximumf>, %select_n3A_53, %reduce_max3A_54 [0] : vector<64x256xf32> to vector<256xf32>
    %broadcast_in_dim3A_56 = vector.shape_cast %reduce_max3A_55 : vector<256xf32> to vector<1x256xf32>
    %eq3A_57 = vector.broadcast %broadcast_in_dim3A_56 : vector<1x256xf32> to vector<64x256xf32>
    %eq3A_58 = arith.cmpf oeq, %convert_element_type3A_15, %eq3A_57 : vector<64x256xf32>
    %jit3A_59 = arith.constant -1.000000e+00 : f32
    %broadcast_in_dim3A_60 = vector.broadcast %jit3A_59 : f32 to vector<64x256xf32>
    %select_n3A_61 = arith.select %eq3A_58, %broadcast_in_dim3A_60, %select_n3A_45 : vector<64x256xi1>, vector<64x256xf32>
    %reduce_max3A_62 = arith.constant dense<0xFF800000> : vector<256xf32>
    %reduce_max3A_63 = vector.multi_reduction <maximumf>, %select_n3A_61, %reduce_max3A_62 [0] : vector<64x256xf32> to vector<256xf32>
    %broadcast_in_dim3A_64 = vector.shape_cast %reduce_max3A_63 : vector<256xf32> to vector<1x256xf32>
    %eq3A_65 = vector.broadcast %broadcast_in_dim3A_64 : vector<1x256xf32> to vector<64x256xf32>
    %eq3A_66 = arith.cmpf oeq, %select_n3A_61, %eq3A_65 : vector<64x256xf32>
    %jit3A_67 = arith.constant -1.000000e+00 : f32
    %broadcast_in_dim3A_68 = vector.broadcast %jit3A_67 : f32 to vector<64x256xf32>
    %select_n3A_69 = arith.select %eq3A_66, %convert_element_type3A_15, %broadcast_in_dim3A_68 : vector<64x256xi1>, vector<64x256xf32>
    %reduce_max3A_70 = arith.constant dense<0xFF800000> : vector<256xf32>
    %reduce_max3A_71 = vector.multi_reduction <maximumf>, %select_n3A_69, %reduce_max3A_70 [0] : vector<64x256xf32> to vector<256xf32>
    %broadcast_in_dim3A_72 = vector.shape_cast %reduce_max3A_71 : vector<256xf32> to vector<1x256xf32>
    %eq3A_73 = vector.broadcast %broadcast_in_dim3A_72 : vector<1x256xf32> to vector<64x256xf32>
    %eq3A_74 = arith.cmpf oeq, %convert_element_type3A_15, %eq3A_73 : vector<64x256xf32>
    %jit3A_75 = arith.constant -1.000000e+00 : f32
    %broadcast_in_dim3A_76 = vector.broadcast %jit3A_75 : f32 to vector<64x256xf32>
    %select_n3A_77 = arith.select %eq3A_74, %broadcast_in_dim3A_76, %select_n3A_61 : vector<64x256xi1>, vector<64x256xf32>
    %reduce_max3A_78 = arith.constant dense<0xFF800000> : vector<256xf32>
    %reduce_max3A_79 = vector.multi_reduction <maximumf>, %select_n3A_77, %reduce_max3A_78 [0] : vector<64x256xf32> to vector<256xf32>
    %broadcast_in_dim3A_80 = vector.shape_cast %reduce_max3A_79 : vector<256xf32> to vector<1x256xf32>
    %eq3A_81 = vector.broadcast %broadcast_in_dim3A_80 : vector<1x256xf32> to vector<64x256xf32>
    %eq3A_82 = arith.cmpf oeq, %select_n3A_77, %eq3A_81 : vector<64x256xf32>
    %jit3A_83 = arith.constant -1.000000e+00 : f32
    %broadcast_in_dim3A_84 = vector.broadcast %jit3A_83 : f32 to vector<64x256xf32>
    %select_n3A_85 = arith.select %eq3A_82, %convert_element_type3A_15, %broadcast_in_dim3A_84 : vector<64x256xi1>, vector<64x256xf32>
    %reduce_max3A_86 = arith.constant dense<0xFF800000> : vector<256xf32>
    %reduce_max3A_87 = vector.multi_reduction <maximumf>, %select_n3A_85, %reduce_max3A_86 [0] : vector<64x256xf32> to vector<256xf32>
    %broadcast_in_dim3A_88 = vector.shape_cast %reduce_max3A_87 : vector<256xf32> to vector<1x256xf32>
    %eq3A_89 = vector.broadcast %broadcast_in_dim3A_88 : vector<1x256xf32> to vector<64x256xf32>
    %eq3A_90 = arith.cmpf oeq, %convert_element_type3A_15, %eq3A_89 : vector<64x256xf32>
    %jit3A_91 = arith.constant -1.000000e+00 : f32
    %broadcast_in_dim3A_92 = vector.broadcast %jit3A_91 : f32 to vector<64x256xf32>
    %select_n3A_93 = arith.select %eq3A_90, %broadcast_in_dim3A_92, %select_n3A_77 : vector<64x256xi1>, vector<64x256xf32>
    %reduce_max3A_94 = arith.constant dense<0xFF800000> : vector<256xf32>
    %reduce_max3A_95 = vector.multi_reduction <maximumf>, %select_n3A_93, %reduce_max3A_94 [0] : vector<64x256xf32> to vector<256xf32>
    %broadcast_in_dim3A_96 = vector.shape_cast %reduce_max3A_95 : vector<256xf32> to vector<1x256xf32>
    %eq3A_97 = vector.broadcast %broadcast_in_dim3A_96 : vector<1x256xf32> to vector<64x256xf32>
    %eq3A_98 = arith.cmpf oeq, %select_n3A_93, %eq3A_97 : vector<64x256xf32>
    %jit3A_99 = arith.constant -1.000000e+00 : f32
    %broadcast_in_dim3A_100 = vector.broadcast %jit3A_99 : f32 to vector<64x256xf32>
    %select_n3A_101 = arith.select %eq3A_98, %convert_element_type3A_15, %broadcast_in_dim3A_100 : vector<64x256xi1>, vector<64x256xf32>
    %reduce_max3A_102 = arith.constant dense<0xFF800000> : vector<256xf32>
    %reduce_max3A_103 = vector.multi_reduction <maximumf>, %select_n3A_101, %reduce_max3A_102 [0] : vector<64x256xf32> to vector<256xf32>
    %broadcast_in_dim3A_104 = vector.shape_cast %reduce_max3A_103 : vector<256xf32> to vector<1x256xf32>
    %eq3A_105 = vector.broadcast %broadcast_in_dim3A_104 : vector<1x256xf32> to vector<64x256xf32>
    %eq3A_106 = arith.cmpf oeq, %convert_element_type3A_15, %eq3A_105 : vector<64x256xf32>
    %jit3A_107 = arith.constant -1.000000e+00 : f32
    %broadcast_in_dim3A_108 = vector.broadcast %jit3A_107 : f32 to vector<64x256xf32>
    %select_n3A_109 = arith.select %eq3A_106, %broadcast_in_dim3A_108, %select_n3A_93 : vector<64x256xi1>, vector<64x256xf32>
    %reduce_max3A_110 = arith.constant dense<0xFF800000> : vector<256xf32>
    %reduce_max3A_111 = vector.multi_reduction <maximumf>, %select_n3A_109, %reduce_max3A_110 [0] : vector<64x256xf32> to vector<256xf32>
    %broadcast_in_dim3A_112 = vector.shape_cast %reduce_max3A_111 : vector<256xf32> to vector<1x256xf32>
    %eq3A_113 = vector.broadcast %broadcast_in_dim3A_112 : vector<1x256xf32> to vector<64x256xf32>
    %eq3A_114 = arith.cmpf oeq, %select_n3A_109, %eq3A_113 : vector<64x256xf32>
    %jit3A_115 = arith.constant -1.000000e+00 : f32
    %broadcast_in_dim3A_116 = vector.broadcast %jit3A_115 : f32 to vector<64x256xf32>
    %select_n3A_117 = arith.select %eq3A_114, %convert_element_type3A_15, %broadcast_in_dim3A_116 : vector<64x256xi1>, vector<64x256xf32>
    %reduce_max3A_118 = arith.constant dense<0xFF800000> : vector<256xf32>
    %reduce_max3A_119 = vector.multi_reduction <maximumf>, %select_n3A_117, %reduce_max3A_118 [0] : vector<64x256xf32> to vector<256xf32>
    %broadcast_in_dim3A_120 = vector.shape_cast %reduce_max3A_119 : vector<256xf32> to vector<1x256xf32>
    %eq3A_121 = vector.broadcast %broadcast_in_dim3A_120 : vector<1x256xf32> to vector<64x256xf32>
    %eq3A_122 = arith.cmpf oeq, %convert_element_type3A_15, %eq3A_121 : vector<64x256xf32>
    %jit3A_123 = arith.constant -1.000000e+00 : f32
    %broadcast_in_dim3A_124 = vector.broadcast %jit3A_123 : f32 to vector<64x256xf32>
    %select_n3A_125 = arith.select %eq3A_122, %broadcast_in_dim3A_124, %select_n3A_109 : vector<64x256xi1>, vector<64x256xf32>
    %reduce_max3A_126 = arith.constant dense<0xFF800000> : vector<256xf32>
    %reduce_max3A_127 = vector.multi_reduction <maximumf>, %select_n3A_125, %reduce_max3A_126 [0] : vector<64x256xf32> to vector<256xf32>
    %broadcast_in_dim3A_128 = vector.shape_cast %reduce_max3A_127 : vector<256xf32> to vector<1x256xf32>
    %eq3A_129 = vector.broadcast %broadcast_in_dim3A_128 : vector<1x256xf32> to vector<64x256xf32>
    %eq3A_130 = arith.cmpf oeq, %select_n3A_125, %eq3A_129 : vector<64x256xf32>
    %jit3A_131 = arith.constant -1.000000e+00 : f32
    %broadcast_in_dim3A_132 = vector.broadcast %jit3A_131 : f32 to vector<64x256xf32>
    %select_n3A_133 = arith.select %eq3A_130, %convert_element_type3A_15, %broadcast_in_dim3A_132 : vector<64x256xi1>, vector<64x256xf32>
    %reduce_max3A_134 = arith.constant dense<0xFF800000> : vector<256xf32>
    %reduce_max3A_135 = vector.multi_reduction <maximumf>, %select_n3A_133, %reduce_max3A_134 [0] : vector<64x256xf32> to vector<256xf32>
    %broadcast_in_dim3A_136 = vector.shape_cast %reduce_max3A_135 : vector<256xf32> to vector<1x256xf32>
    %eq3A_137 = vector.broadcast %broadcast_in_dim3A_136 : vector<1x256xf32> to vector<64x256xf32>
    %eq3A_138 = arith.cmpf oeq, %convert_element_type3A_15, %eq3A_137 : vector<64x256xf32>
    %jit3A_139 = arith.constant -1.000000e+00 : f32
    %broadcast_in_dim3A_140 = vector.broadcast %jit3A_139 : f32 to vector<64x256xf32>
    %select_n3A_141 = arith.select %eq3A_138, %broadcast_in_dim3A_140, %select_n3A_125 : vector<64x256xi1>, vector<64x256xf32>
    %lt3A = arith.constant 0.000000e+00 : f32
    %lt3A_142 = vector.broadcast %lt3A : f32 to vector<64x256xf32>
    %lt3A_143 = arith.cmpf olt, %select_n3A_141, %lt3A_142 : vector<64x256xf32>
    %convert_element_type3A_144 = arith.extui %lt3A_143 : vector<64x256xi1> to vector<64x256xi32>
    %convert_element_type3A_145 = arith.sitofp %convert_element_type3A_144 : vector<64x256xi32> to vector<64x256xf32>
    %iota3A_146 = tpu.iota {dimensions = array<i32: 0>} : vector<256x256xi32>
    %iota3A_147 = tpu.iota {dimensions = array<i32: 1>} : vector<256x256xi32>
    %lt3A_148 = arith.cmpi slt, %iota3A_146, %iota3A_147 : vector<256x256xi32>
    %convert_element_type3A_149 = arith.extui %lt3A_148 : vector<256x256xi1> to vector<256x256xi32>
    %convert_element_type3A_150 = arith.sitofp %convert_element_type3A_149 : vector<256x256xi32> to vector<256x256xf32>
    %dot_general3A_151 = arith.constant dense<0.000000e+00> : vector<64x256xf32>
    %dot_general3A_152 = tpu.matmul %convert_element_type3A_145, %convert_element_type3A_150, %dot_general3A_151 {dimension_numbers = #tpu.dot_dimension_numbers<[1], [0], [0], [1], [0, 0, 1, 1], [], []>, transpose_lhs_hint = false} : vector<64x256xf32>, vector<256x256xf32>, vector<64x256xf32> -> vector<64x256xf32>
    %get3A_153 = arith.constant 0 : index
    %get3A_154 = arith.constant 0 : index
    %get3A_155 = vector.load %arg8[%get3A_153, %get3A_154] : memref<64x1xf32, #tpu.memory_space<vmem>>, vector<64x1xf32>
    %add3A = vector.broadcast %get3A_155 : vector<64x1xf32> to vector<64x256xf32>
    %add3A_156 = arith.addf %add3A, %dot_general3A_152 : vector<64x256xf32>
    %mul3A = arith.constant 6.400000e+01 : f32
    %mul3A_157 = vector.broadcast %mul3A : f32 to vector<64x256xf32>
    %mul3A_158 = arith.mulf %add3A_156, %mul3A_157 : vector<64x256xf32>
    %convert_element_type3A_159 = arith.sitofp %iota3A : vector<64x256xi32> to vector<64x256xf32>
    %add3A_160 = arith.addf %mul3A_158, %convert_element_type3A_159 : vector<64x256xf32>
    %jit3A_161 = arith.constant 0.000000e+00 : f32
    %broadcast_in_dim3A_162 = vector.broadcast %jit3A_161 : f32 to vector<64x256xf32>
    %select_n3A_163 = arith.select %eq3A_26, %add3A_160, %broadcast_in_dim3A_162 : vector<64x256xi1>, vector<64x256xf32>
    %reduce_sum3A_164 = arith.constant dense<0.000000e+00> : vector<256xf32>
    %reduce_sum3A_165 = vector.multi_reduction <add>, %select_n3A_163, %reduce_sum3A_164 [0] : vector<64x256xf32> to vector<256xf32>
    %broadcast_in_dim3A_166 = vector.shape_cast %reduce_sum3A_165 : vector<256xf32> to vector<1x256xf32>
    %jit3A_167 = arith.constant 0.000000e+00 : f32
    %broadcast_in_dim3A_168 = vector.broadcast %jit3A_167 : f32 to vector<64x256xf32>
    %select_n3A_169 = arith.select %eq3A_42, %add3A_160, %broadcast_in_dim3A_168 : vector<64x256xi1>, vector<64x256xf32>
    %reduce_sum3A_170 = arith.constant dense<0.000000e+00> : vector<256xf32>
    %reduce_sum3A_171 = vector.multi_reduction <add>, %select_n3A_169, %reduce_sum3A_170 [0] : vector<64x256xf32> to vector<256xf32>
    %broadcast_in_dim3A_172 = vector.shape_cast %reduce_sum3A_171 : vector<256xf32> to vector<1x256xf32>
    %jit3A_173 = arith.constant 0.000000e+00 : f32
    %broadcast_in_dim3A_174 = vector.broadcast %jit3A_173 : f32 to vector<64x256xf32>
    %select_n3A_175 = arith.select %eq3A_58, %add3A_160, %broadcast_in_dim3A_174 : vector<64x256xi1>, vector<64x256xf32>
    %reduce_sum3A_176 = arith.constant dense<0.000000e+00> : vector<256xf32>
    %reduce_sum3A_177 = vector.multi_reduction <add>, %select_n3A_175, %reduce_sum3A_176 [0] : vector<64x256xf32> to vector<256xf32>
    %broadcast_in_dim3A_178 = vector.shape_cast %reduce_sum3A_177 : vector<256xf32> to vector<1x256xf32>
    %jit3A_179 = arith.constant 0.000000e+00 : f32
    %broadcast_in_dim3A_180 = vector.broadcast %jit3A_179 : f32 to vector<64x256xf32>
    %select_n3A_181 = arith.select %eq3A_74, %add3A_160, %broadcast_in_dim3A_180 : vector<64x256xi1>, vector<64x256xf32>
    %reduce_sum3A_182 = arith.constant dense<0.000000e+00> : vector<256xf32>
    %reduce_sum3A_183 = vector.multi_reduction <add>, %select_n3A_181, %reduce_sum3A_182 [0] : vector<64x256xf32> to vector<256xf32>
    %broadcast_in_dim3A_184 = vector.shape_cast %reduce_sum3A_183 : vector<256xf32> to vector<1x256xf32>
    %jit3A_185 = arith.constant 0.000000e+00 : f32
    %broadcast_in_dim3A_186 = vector.broadcast %jit3A_185 : f32 to vector<64x256xf32>
    %select_n3A_187 = arith.select %eq3A_90, %add3A_160, %broadcast_in_dim3A_186 : vector<64x256xi1>, vector<64x256xf32>
    %reduce_sum3A_188 = arith.constant dense<0.000000e+00> : vector<256xf32>
    %reduce_sum3A_189 = vector.multi_reduction <add>, %select_n3A_187, %reduce_sum3A_188 [0] : vector<64x256xf32> to vector<256xf32>
    %broadcast_in_dim3A_190 = vector.shape_cast %reduce_sum3A_189 : vector<256xf32> to vector<1x256xf32>
    %jit3A_191 = arith.constant 0.000000e+00 : f32
    %broadcast_in_dim3A_192 = vector.broadcast %jit3A_191 : f32 to vector<64x256xf32>
    %select_n3A_193 = arith.select %eq3A_106, %add3A_160, %broadcast_in_dim3A_192 : vector<64x256xi1>, vector<64x256xf32>
    %reduce_sum3A_194 = arith.constant dense<0.000000e+00> : vector<256xf32>
    %reduce_sum3A_195 = vector.multi_reduction <add>, %select_n3A_193, %reduce_sum3A_194 [0] : vector<64x256xf32> to vector<256xf32>
    %broadcast_in_dim3A_196 = vector.shape_cast %reduce_sum3A_195 : vector<256xf32> to vector<1x256xf32>
    %jit3A_197 = arith.constant 0.000000e+00 : f32
    %broadcast_in_dim3A_198 = vector.broadcast %jit3A_197 : f32 to vector<64x256xf32>
    %select_n3A_199 = arith.select %eq3A_122, %add3A_160, %broadcast_in_dim3A_198 : vector<64x256xi1>, vector<64x256xf32>
    %reduce_sum3A_200 = arith.constant dense<0.000000e+00> : vector<256xf32>
    %reduce_sum3A_201 = vector.multi_reduction <add>, %select_n3A_199, %reduce_sum3A_200 [0] : vector<64x256xf32> to vector<256xf32>
    %broadcast_in_dim3A_202 = vector.shape_cast %reduce_sum3A_201 : vector<256xf32> to vector<1x256xf32>
    %jit3A_203 = arith.constant 0.000000e+00 : f32
    %broadcast_in_dim3A_204 = vector.broadcast %jit3A_203 : f32 to vector<64x256xf32>
    %select_n3A_205 = arith.select %eq3A_138, %add3A_160, %broadcast_in_dim3A_204 : vector<64x256xi1>, vector<64x256xf32>
    %reduce_sum3A_206 = arith.constant dense<0.000000e+00> : vector<256xf32>
    %reduce_sum3A_207 = vector.multi_reduction <add>, %select_n3A_205, %reduce_sum3A_206 [0] : vector<64x256xf32> to vector<256xf32>
    %broadcast_in_dim3A_208 = vector.shape_cast %reduce_sum3A_207 : vector<256xf32> to vector<1x256xf32>
    %concatenate3A = tpu.concatenate %broadcast_in_dim3A_166, %broadcast_in_dim3A_172, %broadcast_in_dim3A_178, %broadcast_in_dim3A_184, %broadcast_in_dim3A_190, %broadcast_in_dim3A_196, %broadcast_in_dim3A_202, %broadcast_in_dim3A_208 in 0 : vector<1x256xf32>, vector<1x256xf32>, vector<1x256xf32>, vector<1x256xf32>, vector<1x256xf32>, vector<1x256xf32>, vector<1x256xf32>, vector<1x256xf32> -> vector<8x256xf32>
    %convert_element_type3A_209 = arith.fptosi %concatenate3A : vector<8x256xf32> to vector<8x256xi32>
    %and3A = arith.constant 63 : i32
    %and3A_210 = vector.broadcast %and3A : i32 to vector<8x256xi32>
    %and3A_211 = arith.andi %convert_element_type3A_209, %and3A_210 : vector<8x256xi32>
    %bitcast_convert_type3A = tpu.bitcast %and3A_211 : vector<8x256xi32> -> vector<8x256xf32>
    %convert_element_type3A_212 = arith.fptosi %concatenate3A : vector<8x256xf32> to vector<8x256xi32>
    %shift_right_arithmetic3A = arith.constant 6 : i32
    %shift_right_arithmetic3A_213 = vector.broadcast %shift_right_arithmetic3A : i32 to vector<8x256xi32>
    %shift_right_arithmetic3A_214 = arith.shrsi %convert_element_type3A_212, %shift_right_arithmetic3A_213 : vector<8x256xi32>
    %bitcast_convert_type3A_215 = tpu.bitcast %shift_right_arithmetic3A_214 : vector<8x256xi32> -> vector<8x256xf32>
    %concatenate3A_216 = tpu.concatenate %broadcast_in_dim3A_18, %broadcast_in_dim3A_32, %broadcast_in_dim3A_48, %broadcast_in_dim3A_64, %broadcast_in_dim3A_80, %broadcast_in_dim3A_96, %broadcast_in_dim3A_112, %broadcast_in_dim3A_128 in 0 : vector<1x256xf32>, vector<1x256xf32>, vector<1x256xf32>, vector<1x256xf32>, vector<1x256xf32>, vector<1x256xf32>, vector<1x256xf32>, vector<1x256xf32> -> vector<8x256xf32>
    %div3A = vector.broadcast %broadcast_in_dim3A_11 : vector<1x256xf32> to vector<8x256xf32>
    %div3A_217 = arith.divf %concatenate3A_216, %div3A : vector<8x256xf32>
    %transpose3A_218 = tpu.transpose %div3A_217, [1, 0] : vector<8x256xf32> -> vector<256x8xf32>
    %swap3A = arith.constant 0 : index
    %swap3A_219 = arith.constant 0 : index
    %swap3A_220 = vector.load %arg3[%swap3A, %swap3A_219] : memref<256x8xf32, #tpu.memory_space<vmem>>, vector<256x8xf32>
    tpu.vector_store %arg3[%swap3A, %swap3A_219], %transpose3A_218 {strides = array<i32>} : memref<256x8xf32, #tpu.memory_space<vmem>>, vector<256x8xf32>,
    %transpose3A_221 = tpu.transpose %bitcast_convert_type3A, [1, 0] : vector<8x256xf32> -> vector<256x8xf32>
    %bitcast_convert_type3A_222 = tpu.bitcast %transpose3A_221 : vector<256x8xf32> -> vector<256x8xi32>
    %swap3A_223 = arith.constant 0 : index
    %swap3A_224 = arith.constant 0 : index
    %swap3A_225 = vector.load %arg4[%swap3A_223, %swap3A_224] : memref<256x8xi32, #tpu.memory_space<vmem>>, vector<256x8xi32>
    tpu.vector_store %arg4[%swap3A_223, %swap3A_224], %bitcast_convert_type3A_222 {strides = array<i32>} : memref<256x8xi32, #tpu.memory_space<vmem>>, vector<256x8xi32>,
    %transpose3A_226 = tpu.transpose %bitcast_convert_type3A_215, [1, 0] : vector<8x256xf32> -> vector<256x8xf32>
    %bitcast_convert_type3A_227 = tpu.bitcast %transpose3A_226 : vector<256x8xf32> -> vector<256x8xi32>
    %swap3A_228 = arith.constant 0 : index
    %swap3A_229 = arith.constant 0 : index
    %swap3A_230 = vector.load %arg5[%swap3A_228, %swap3A_229] : memref<256x8xi32, #tpu.memory_space<vmem>>, vector<256x8xi32>
    tpu.vector_store %arg5[%swap3A_228, %swap3A_229], %bitcast_convert_type3A_227 {strides = array<i32>} : memref<256x8xi32, #tpu.memory_space<vmem>>, vector<256x8xi32>,
    %reduce_sum3A_231 = arith.constant dense<0.000000e+00> : vector<64xf32>
    %reduce_sum3A_232 = vector.multi_reduction <add>, %convert_element_type3A_145, %reduce_sum3A_231 [1] : vector<64x256xf32> to vector<64xf32>
    %broadcast_in_dim3A_233 = vector.shape_cast %reduce_sum3A_232 : vector<64xf32> to vector<64x1xf32>
    %add3A_234 = arith.addf %get3A_155, %broadcast_in_dim3A_233 : vector<64x1xf32>
    %swap3A_235 = arith.constant 0 : index
    %swap3A_236 = arith.constant 0 : index
    %swap3A_237 = vector.load %arg8[%swap3A_235, %swap3A_236] : memref<64x1xf32, #tpu.memory_space<vmem>>, vector<64x1xf32>
    tpu.vector_store %arg8[%swap3A_235, %swap3A_236], %add3A_234 {strides = array<i32>} : memref<64x1xf32, #tpu.memory_space<vmem>>, vector<64x1xf32>,
    %eq3A_238 = arith.constant 127 : i32
    %eq3A_239 = arith.cmpi eq, %arg0, %eq3A_238 : i32
    %convert_element_type3A_240 = arith.extui %eq3A_239 : i1 to i32
    %cond3A_241 = arith.constant 0 : i32
    %cond3A_242 = arith.cmpi ne, %convert_element_type3A_240, %cond3A_241 : i32
    scf.if %cond3A_242 {
      %convert_element_type3A_243 = arith.fptosi %add3A_234 : vector<64x1xf32> to vector<64x1xi32>
      %transpose3A_244 = tpu.transpose %convert_element_type3A_243, [1, 0] : vector<64x1xi32> -> vector<1x64xi32>
      %swap3A_245 = arith.constant 0 : index
      %swap3A_246 = arith.constant 0 : index
      %swap3A_247 = vector.load %arg6[%swap3A_245, %swap3A_246] : memref<1x64xi32, #tpu.memory_space<vmem>>, vector<1x64xi32>
      tpu.vector_store %arg6[%swap3A_245, %swap3A_246], %transpose3A_244 {strides = array<i32>} : memref<1x64xi32, #tpu.memory_space<vmem>>, vector<1x64xi32>,
      %broadcast_in_dim3A_248 = arith.constant 0 : i32
      %broadcast_in_dim3A_249 = vector.broadcast %broadcast_in_dim3A_248 : i32 to vector<1x1xi32>
      %slice3A = vector.extract_strided_slice %transpose3A_244 {offsets = [0, 0], sizes = [1, 63], strides = [1, 1]} : vector<1x64xi32> to vector<1x63xi32>
      %concatenate3A_250 = tpu.concatenate %broadcast_in_dim3A_249, %slice3A in 1 : vector<1x1xi32>, vector<1x63xi32> -> vector<1x64xi32>
      %broadcast_in_dim3A_251 = arith.constant 0 : i32
      %broadcast_in_dim3A_252 = vector.broadcast %broadcast_in_dim3A_251 : i32 to vector<1x1xi32>
      %slice3A_253 = vector.extract_strided_slice %concatenate3A_250 {offsets = [0, 0], sizes = [1, 63], strides = [1, 1]} : vector<1x64xi32> to vector<1x63xi32>
      %concatenate3A_254 = tpu.concatenate %broadcast_in_dim3A_252, %slice3A_253 in 1 : vector<1x1xi32>, vector<1x63xi32> -> vector<1x64xi32>
      %add3A_255 = arith.addi %concatenate3A_250, %concatenate3A_254 : vector<1x64xi32>
      %broadcast_in_dim3A_256 = arith.constant 0 : i32
      %broadcast_in_dim3A_257 = vector.broadcast %broadcast_in_dim3A_256 : i32 to vector<1x2xi32>
      %slice3A_258 = vector.extract_strided_slice %add3A_255 {offsets = [0, 0], sizes = [1, 62], strides = [1, 1]} : vector<1x64xi32> to vector<1x62xi32>
      %concatenate3A_259 = tpu.concatenate %broadcast_in_dim3A_257, %slice3A_258 in 1 : vector<1x2xi32>, vector<1x62xi32> -> vector<1x64xi32>
      %add3A_260 = arith.addi %add3A_255, %concatenate3A_259 : vector<1x64xi32>
      %broadcast_in_dim3A_261 = arith.constant 0 : i32
      %broadcast_in_dim3A_262 = vector.broadcast %broadcast_in_dim3A_261 : i32 to vector<1x4xi32>
      %slice3A_263 = vector.extract_strided_slice %add3A_260 {offsets = [0, 0], sizes = [1, 60], strides = [1, 1]} : vector<1x64xi32> to vector<1x60xi32>
      %concatenate3A_264 = tpu.concatenate %broadcast_in_dim3A_262, %slice3A_263 in 1 : vector<1x4xi32>, vector<1x60xi32> -> vector<1x64xi32>
      %add3A_265 = arith.addi %add3A_260, %concatenate3A_264 : vector<1x64xi32>
      %broadcast_in_dim3A_266 = arith.constant 0 : i32
      %broadcast_in_dim3A_267 = vector.broadcast %broadcast_in_dim3A_266 : i32 to vector<1x8xi32>
      %slice3A_268 = vector.extract_strided_slice %add3A_265 {offsets = [0, 0], sizes = [1, 56], strides = [1, 1]} : vector<1x64xi32> to vector<1x56xi32>
      %concatenate3A_269 = tpu.concatenate %broadcast_in_dim3A_267, %slice3A_268 in 1 : vector<1x8xi32>, vector<1x56xi32> -> vector<1x64xi32>
      %add3A_270 = arith.addi %add3A_265, %concatenate3A_269 : vector<1x64xi32>
      %broadcast_in_dim3A_271 = arith.constant 0 : i32
      %broadcast_in_dim3A_272 = vector.broadcast %broadcast_in_dim3A_271 : i32 to vector<1x16xi32>
      %slice3A_273 = vector.extract_strided_slice %add3A_270 {offsets = [0, 0], sizes = [1, 48], strides = [1, 1]} : vector<1x64xi32> to vector<1x48xi32>
      %concatenate3A_274 = tpu.concatenate %broadcast_in_dim3A_272, %slice3A_273 in 1 : vector<1x16xi32>, vector<1x48xi32> -> vector<1x64xi32>
      %add3A_275 = arith.addi %add3A_270, %concatenate3A_274 : vector<1x64xi32>
      %broadcast_in_dim3A_276 = arith.constant 0 : i32
      %broadcast_in_dim3A_277 = vector.broadcast %broadcast_in_dim3A_276 : i32 to vector<1x32xi32>
      %slice3A_278 = vector.extract_strided_slice %add3A_275 {offsets = [0, 0], sizes = [1, 32], strides = [1, 1]} : vector<1x64xi32> to vector<1x32xi32>
      %concatenate3A_279 = tpu.concatenate %broadcast_in_dim3A_277, %slice3A_278 in 1 : vector<1x32xi32>, vector<1x32xi32> -> vector<1x64xi32>
      %add3A_280 = arith.addi %add3A_275, %concatenate3A_279 : vector<1x64xi32>
      %swap3A_281 = arith.constant 0 : index
      %swap3A_282 = arith.constant 0 : index
      %swap3A_283 = vector.load %arg7[%swap3A_281, %swap3A_282] : memref<1x64xi32, #tpu.memory_space<vmem>>, vector<1x64xi32>
      tpu.vector_store %arg7[%swap3A_281, %swap3A_282], %add3A_280 {strides = array<i32>} : memref<1x64xi32, #tpu.memory_space<vmem>>, vector<1x64xi32>,
    } else {
    }
    return
  }
  func.func @transform_0(%arg0: i32) -> (i32, i32) {
    %c0_i32 = arith.constant 0 : i32
    %c0_i32_0 = arith.constant 0 : i32
    return %arg0, %c0_i32 : i32, i32
  }
  func.func @transform_1(%arg0: i32) -> (i32, i32) {
    %c0_i32 = arith.constant 0 : i32
    %c0_i32_0 = arith.constant 0 : i32
    %c0_i32_1 = arith.constant 0 : i32
    return %c0_i32, %c0_i32_0 : i32, i32
  }
  func.func @transform_2(%arg0: i32) -> (i32, i32) {
    %c0_i32 = arith.constant 0 : i32
    %c0_i32_0 = arith.constant 0 : i32
    return %arg0, %c0_i32 : i32, i32
  }
  func.func @transform_3(%arg0: i32) -> (i32, i32) {
    %c0_i32 = arith.constant 0 : i32
    %c0_i32_0 = arith.constant 0 : i32
    return %arg0, %c0_i32 : i32, i32
  }
  func.func @transform_4(%arg0: i32) -> (i32, i32) {
    %c0_i32 = arith.constant 0 : i32
    %c0_i32_0 = arith.constant 0 : i32
    return %arg0, %c0_i32 : i32, i32
  }
  func.func @transform_5(%arg0: i32) -> (i32, i32) {
    %c0_i32 = arith.constant 0 : i32
    %c0_i32_0 = arith.constant 0 : i32
    %c0_i32_1 = arith.constant 0 : i32
    return %c0_i32, %c0_i32_0 : i32, i32
  }
  func.func @transform_6(%arg0: i32) -> (i32, i32) {
    %c0_i32 = arith.constant 0 : i32
    %c0_i32_0 = arith.constant 0 : i32
    %c0_i32_1 = arith.constant 0 : i32
    return %c0_i32, %c0_i32_0 : i32, i32
  }
}

</mosaic_0001>

<sc_bundles>
// kernel: kernel.4.cloned.1.call-start
scs
__scs_entry_jumppad:
0x0: {  	(pc) =	sbr.rel $0x88, $3  }
0x1: {  	(tag) =	ssettag $0x0;
	lr =	simm.s32 $0x1  }
0x2: {  	[smem:$0x3F9F] =	sst lr;
	_ =	strace $0xD0000000  }
0x3: {  	_ = 	snop  }
0x4: {  	_ = 	snop  }
0x5: {  	_ = 	snop  }
0x6: {  	_ = 	snop  }
0x7: {  	_ = 	snop  }
__scs_overlays_trampoline_lowered:
0x8: {  	[smem:$0x3FAE] =	sst s0  }
0x9: {  	[smem:$0x3FAF] =	sst s1  }
0xa: {  	[smem:$0x3FB0] =	sst s2  }
0xb: {  	[smem:$0x3FB1] =	sst s3  }
0xc: {  	[smem:$0x3FB2] =	sst s4  }
0xd: {  	[smem:$0x3FB3] =	sst s5  }
0xe: {  	[smem:$0x3FB4] =	sst s6  }
0xf: {  	[smem:$0x3FB5] =	sst s7  }
0x10: {  	[smem:$0x3FB6] =	sst s8  }
0x11: {  	[smem:$0x3FB7] =	sst s9;
	s0 =	simm.s32 @!p0 $0x0  }
0x12: {  	s1 =	sld [smem:$0x3F9D];
	s0 =	simm.s32 @p0 $0x1  }
0x13: {  	[smem:$0x3FB8] =	sst s0;
	s0 =	simm.s32 @!p1 $0x0  }
0x14: {  	s2 =	sld [smem:$0x3F9C];
	s0 =	simm.s32 @p1 $0x1  }
0x15: {  	[smem:$0x3FB9] =	sst s0;
	s0 =	simm.s32 @!p2 $0x0  }
0x16: {  	s3 =	sld [smem:$0x3FDB];
	s0 =	simm.s32 @p2 $0x1  }
0x17: {  	s4 =	simm.s32 $0x1BF5;
	[smem:$0x3FBB] =	sst s0  }
0x18: {  	s0 =	sld [smem:$0x3F9E];
	_ =	swait.ge [sflag:s4], $0x0  }
0x19: {  	s7 =	sld [smem:$0x3F9F]  }
0x1a: {  	s8 =	sadd.s32 $0xFFFFE003, lr  }
0x1b: {  	s9 =	sadd.s32 $0xFFFFFEF7, lr;
	s5 =	simm.s32 $0xFFFFFFFF;
	p2 =	slt.u32 s8, $0xFFFFF086  }
0x1c: {  	p1 =	slt.u32 s9, $0xF7A;
	s5 =	simm.s32 @!p2 $0x0  }
0x1d: {  	s5 =	simm.s32 @p1 $0x1;
	p0 =	seq.s32 s7, s2  }
0x1e: {  	s7 =	smul.u32 @!p0 $0xF7A, s2;
	p2 =	seq.s32 @!p0 s5, $0x0  }
0x1f: {  	s9 =	smul.u32 $0xF7A, s1;
	s8 =	simm.s32 @!p0 $0x1BF5;
	p2 =	por !p2, p0  }
0x20: {  	[sflag:s8] =	ssyncset.s32 @!p0 $0xFFFFF086;
	s6 =	sadd.s32 @!p0 s3, s7;
	s7 =	simm.s32 @!p0 $0x108  }
0x21: {  	s3 =	sadd.s32 s3, s9;
	s6 =	sadd.s32 @!p0 $0x88, s6;
	s7 =	simm.s32 @p2 $0x1082  }
0x22: {  	[simem:s7], [sflag:s8] =	dma.local @!p0 [hbm:s6], $0xF7A  }
0x23: {  	s9 =	sor.u32 $0xD0000000, s2;
	s6 =	simm.s32 $0x108;
	_ =	swait.ge @!p0 [sflag:s8], $0x0  }
0x24: {  	s3 =	sadd.s32 $0x88, s3;
	s6 =	simm.s32 @!p1 $0x1082;
	[sflag:s4] =	ssyncset.s32 $0xFFFFF086  }
0x25: {  	[simem:s6], [sflag:s4] =	dma.local [hbm:s3], $0xF7A  }
0x26: {  	[smem:$0x3F9F] =	sst s1;
	(tag) =	ssettag s2;
	_ =	strace s9  }
0x27: {  	s1 =	sld [smem:$0x3FAF]  }
0x28: {  	s2 =	sld [smem:$0x3FB0]  }
0x29: {  	s4 =	sld [smem:$0x3FB2]  }
0x2a: {  	p0 =	seq.s32 s5, $0x0;
	s5 =	sld [smem:$0x3FB3]  }
0x2b: {  	s6 =	sld [smem:$0x3FB4]  }
0x2c: {  	s7 =	sld [smem:$0x3FB5]  }
0x2d: {  	s3 =	simm.s32 $0x108;
	s8 =	sld [smem:$0x3FB6]  }
0x2e: {  	s3 =	simm.s32 @!p0 $0x1082;
	s9 =	sld [smem:$0x3FB7]  }
0x2f: {  	lr =	sadd.s32 s0, s3;
	s0 =	sld [smem:$0x3FAE]  }
0x30: {  	s3 =	sld [smem:$0x3FB1]  }
0x31: {  	[smem:$0x3FBA] =	sst s10  }
0x32: {  	s10 =	sld [smem:$0x3FB8];
	_ =	sdelay $0x3  }
0x33: {  	p0 =	seq.s32 s10, $0x1;
	s10 =	sld [smem:$0x3FBA];
	_ =	sdelay $0x3  }
0x34: {  	[smem:$0x3FBA] =	sst s10  }
0x35: {  	s10 =	sld [smem:$0x3FB9];
	_ =	sdelay $0x3  }
0x36: {  	p1 =	seq.s32 s10, $0x1;
	s10 =	sld [smem:$0x3FBA];
	_ =	sdelay $0x3  }
0x37: {  	[smem:$0x3FBA] =	sst s10  }
0x38: {  	s10 =	sld [smem:$0x3FBB]  }
0x39: {  	_ = 	snop;
	(pc) =	sbr.ind lr, $3  }
0x3a: {  	_ = 	snop  }
0x3b: {  	_ = 	snop  }
0x3c: {  	p2 =	seq.s32 s10, $0x1;
	s10 =	sld [smem:$0x3FBA]  }
0x3d: {  	_ =	shalt  }
0x3e: {  	_ =	shalt  }
0x3f: {  	_ =	shalt  }
0x40: {  	_ =	shalt  }
0x41: {  	_ =	shalt  }
0x42: {  	_ =	shalt  }
0x43: {  	_ =	shalt  }
0x44: {  	_ =	shalt  }
0x45: {  	_ =	shalt  }
0x46: {  	_ =	shalt  }
0x47: {  	_ =	shalt  }
0x48: {  	_ =	shalt  }
0x49: {  	_ =	shalt  }
0x4a: {  	_ =	shalt  }
0x4b: {  	_ =	shalt  }
0x4c: {  	_ =	shalt  }
0x4d: {  	_ =	shalt  }
0x4e: {  	_ =	shalt  }
0x4f: {  	_ =	shalt  }
0x50: {  	_ =	shalt  }
0x51: {  	_ =	shalt  }
0x52: {  	_ =	shalt  }
0x53: {  	_ =	shalt  }
0x54: {  	_ =	shalt  }
0x55: {  	_ =	shalt  }
0x56: {  	_ =	shalt  }
0x57: {  	_ =	shalt  }
0x58: {  	_ =	shalt  }
0x59: {  	_ =	shalt  }
0x5a: {  	_ =	shalt  }
0x5b: {  	_ =	shalt  }
0x5c: {  	_ =	shalt  }
0x5d: {  	_ =	shalt  }
0x5e: {  	_ =	shalt  }
0x5f: {  	_ =	shalt  }
0x60: {  	_ =	shalt  }
0x61: {  	_ =	shalt  }
0x62: {  	_ =	shalt  }
0x63: {  	_ =	shalt  }
0x64: {  	_ =	shalt  }
0x65: {  	_ =	shalt  }
0x66: {  	_ =	shalt  }
0x67: {  	_ =	shalt  }
0x68: {  	_ =	shalt  }
0x69: {  	_ =	shalt  }
0x6a: {  	_ =	shalt  }
0x6b: {  	_ =	shalt  }
0x6c: {  	_ =	shalt  }
0x6d: {  	_ =	shalt  }
0x6e: {  	_ =	shalt  }
0x6f: {  	_ =	shalt  }
0x70: {  	_ =	shalt  }
0x71: {  	_ =	shalt  }
0x72: {  	_ =	shalt  }
0x73: {  	_ =	shalt  }
0x74: {  	_ =	shalt  }
0x75: {  	_ =	shalt  }
0x76: {  	_ =	shalt  }
0x77: {  	_ =	shalt  }
0x78: {  	_ =	shalt  }
0x79: {  	_ =	shalt  }
0x7a: {  	_ =	shalt  }
0x7b: {  	_ =	shalt  }
0x7c: {  	_ =	shalt  }
0x7d: {  	_ =	shalt  }
0x7e: {  	_ =	shalt  }
0x7f: {  	_ =	shalt  }
0x80: {  	_ =	shalt  }
0x81: {  	_ =	shalt  }
0x82: {  	_ =	shalt  }
0x83: {  	_ =	shalt  }
0x84: {  	_ =	shalt  }
0x85: {  	_ =	shalt  }
0x86: {  	_ =	shalt  }
0x87: {  	_ =	shalt  }
.Lfunc_end0:
.L_simem_size_0:
called_computation_lowered:
.L_overlay_start_0:
0x88: {  	s2 =	sld [smem:$0x3FD9]  }
0x89: {  	s3 =	sld [smem:$0x3FFE];
	_ =	sdelay $0x1  }
0x8a: {  	s1 =	srdreg.scid  }
0x8b: {  	s0 =	sand.u32 $0x1, s1  }
0x8c: {  	s14 =	sshll.u32 s0, $0xA;
	s2 =	sadd.s32 s3, s2  }
0x8d: {  	s2 =	sadd.s32 s2, s14  }
0x8e: {  	[smem:$0x3FC6] =	sst s2  }
0x8f: {  	_ = 	snop  }
0x90: {  	s2 =	sld [smem:$0x3FD0];
	_ =	sdelay $0x2  }
0x91: {  	s15 =	simm.s32 $0xA;
	s4 =	simm.s32 $0x10  }
0x92: {  	[smem:s4], [sflag:s15] =	dma.local [hbm:s2], $0x1  }
0x93: {  	_ =	swait.eq [sflag:s15], $0x1  }
0x94: {  	[sflag:s15] =	ssyncset.done $0x0  }
0x95: {  	s16 =	sld [smem:$0x11];
	[sflag:s15] =	ssyncadd.s32 $0xFFFFFFFF  }
0x96: {  	s17 =	sld [smem:$0x12];
	(tm) =	ssettm $0x1  }
0x97: {  	s18 =	sld [smem:$0x3FFB];
	_ =	sdelay $0x3  }
0x98: {  	_ =	strace s18  }
0x99: {  	s4 =	sld [smem:$0x3FFC];
	_ =	sdelay $0x3  }
0x9a: {  	_ =	strace s4  }
0x9b: {  	s4 =	sld [smem:$0x3FFD];
	_ =	sdelay $0x3  }
0x9c: {  	_ =	strace s4  }
0x9d: {  	_ =	strace $0x8FFFFFFF  }
0x9e: {  	s19 =	sld [smem:$0x3FDB];
	_ =	sdelay $0x1  }
0x9f: {  	s5 =	simm.s32 $_scs_section_size  }
0xa0: {  	s6 =	simm.s32 $_size__tile_overlayer_lowered;
	s7 =	simm.s32 $_tile_overlayer_lowered  }
0xa1: {  	s22 =	simm.s32 $0x1BFF;
	s21 =	sshll.u32 s7, $0x1;
	s4 =	sadd.s32 s5, s19  }
0xa2: {  	s8 =	simm.s32 $0x0;
	s20 =	sshll.u32 s6, $0x1;
	s6 =	sadd.s32 s21, s4  }
0xa3: {  	[timem:s8], [sflag:s22] =	dma.local [hbm:s6], s20  }
0xa4: {  	_ =	swait.ge [sflag:s22], s20  }
0xa5: {  	s5 =	ssub.s32 $0x0, s20;
	[sflag:s22] =	ssyncset.done $0x0  }
0xa6: {  	[sflag:s22] =	ssyncadd.s32 s5;
	_ =	sdelay $0x1  }
0xa7: {  	s23 =	simm.s32 $0x1B8B  }
0xa8: {  	_ =	swait.ge [sflag:s23], $0x1  }
0xa9: {  	[sflag:s23] =	ssyncset.done $0x0  }
0xaa: {  	s25 =	simm.s32 $0x1B8E;
	s24 =	sld [smem:$0x3FFE];
	[sflag:s23] =	ssyncadd.s32 $0xFFFFFFFF  }
0xab: {  	s26 =	simm.s32 $execute0_lowered;
	[smem:$0x3FD2] =	sst s25  }
0xac: {  	s6 =	sshll.u32 s26, $0x1;
	_ =	strace $0x80000046;
	[dreg:$0x1] =	wrdreg $0xFFFFFFFF  }
0xad: {  	s28 =	simm.s32 $_size_execute0_lowered;
	s4 =	sadd.s32 s4, s6;
	[dreg:$0x0] =	wrdreg $0x0  }
0xae: {  	s6 =	sshll.u32 s28, $0x1;
	[dreg:$0x2] =	wrdreg s4  }
0xaf: {  	[dreg:$0x3] =	wrdreg s6  }
0xb0: {  	[dreg:$0x4] =	wrdreg $0xC0  }
0xb1: {  	_ =	task [dreg:s8], $0x5FFFF  }
0xb2: {  	[dreg:$0x1] =	wrdreg $0xFFFFFFFF  }
0xb3: {  	[dreg:$0x0] =	wrdreg $0x60  }
0xb4: {  	[dreg:$0x2] =	wrdreg s24  }
0xb5: {  	[dreg:$0x3] =	wrdreg s16  }
0xb6: {  	[dreg:$0x4] =	wrdreg s17  }
0xb7: {  	[dreg:$0x5] =	wrdreg $0x180800  }
0xb8: {  	[dreg:$0x6] =	wrdreg $0x140800  }
0xb9: {  	[dreg:$0x7] =	wrdreg $0x9  }
0xba: {  	_ =	task.clear_ibuf [dreg:s8], $0x8FFFF;
	_ =	strace $0x90000046  }
0xbb: {  	s29 =	simm.s32 $0x9;
	_ =	strace $0x80000048  }
0xbc: {  	_ =	swait.ge [sflag:s29], $0x1  }
0xbd: {  	[sflag:s29] =	ssyncadd.s32 $0xFFFFFFFF  }
0xbe: {  	_ =	strace $0x90000048  }
0xbf: {  	_ =	sfence  }
0xc0: {  	s30 =	sld [smem:$0x0];
	_ =	sdelay $0x2  }
0xc1: {  	s31 =	sshll.u32 s1, $0xD;
	s1 =	sshrl.u32 s1, $0x2  }
0xc2: {  	s3 =	sand.u32 $0x4000, s31;
	s1 =	sadd.s32 s1, s30  }
0xc3: {  	s0 =	sor.u32 s3, s0;
	s1 =	sshll.u32 s1, $0x11  }
0xc4: {  	s0 =	sor.u32 s1, s0  }
0xc5: {  	s0 =	sadd.s32 $0x8F2B, s0  }
0xc6: {  	[sflag:s0] =	ssyncadd.remote.s32 $0x1  }
0xc7: {  	_ =	sfence.sel $0xFFFF  }
0xc8: {  	[dreg:$0x0] =	wrdreg $0xFFFFFFFF;
	(pc) =	sbr.abs _section_cstart, $3  }
0xc9: {  	[dreg:$0x1] =	wrdreg $0xFFFFFFFF  }
0xca: {  	_ =	task.clear_ibuf [dreg:s8], $0x2FFFF;
	_ =	strace $0x9FFFFFFF  }
0xcb: {  	(tm) =	ssettm $0x7FFFFFFF  }
tec
execute0_lowered:
.L_overlay_start_1:
0x0: {  	(tag) =	ssettag $0x1  }
0x1: {  	s6 =	rddreg [dreg:$0x0]  }
0x2: {  	s10 =	rddreg [dreg:$0x1]  }
0x3: {  	s9 =	rddreg [dreg:$0x2]  }
0x4: {  	s1 =	rddreg [dreg:$0x3]  }
0x5: {  	s2 =	rddreg [dreg:$0x4]  }
0x6: {  	s0 =	rddreg [dreg:$0x5]  }
0x7: {  	s3 =	simm.s32 $0x0;
	s5 =	srdreg.scid;
	s4 =	stileid.u32  }
0x8: {  	s16 =	simm.s32 $0x1;
	s19 =	simm.s32 $0x0;
	[smem:$0x7FF] =	sst s3  }
0x9: {  	s17 =	sand.u32 $0x1, s5;
	s5 =	sadd.s32 $0x100C00, s6;
	s11 =	sshll.u32 s4, $0xB  }
0xa: {  	s13 =	sshll.u32 s4, $0xD;
	p0 =	sne.s32 s4, $0x0;
	_ =	strace $0x80000047  }
0xb: {  	s7 =	ssub.s32 $0x2, s17;
	s12 =	sshll.u32 s17, $0x11;
	s14 =	sadd.s32 s11, s6  }
0xc: {  	s9 =	sadd.s32 s9, s11;
	p1 =	sne.s32 s17, $0x0;
	s17 =	simm.s32 $0xC000  }
0xd: {  	s8 =	sshrl.u32 s7, $0x1;
	s12 =	sor.u32 s13, s12;
	s6 =	sadd.s32 $0x100E00, s14  }
0xe: {  	s15 =	ssub.s32 s7, s8;
	s7 =	sadd.s32 $0xC00, s14;
	s13 =	sshrl.u32 s12, $0x3  }
0xf: {  	s8 =	sadd.s32 $0x8C00, s14;
	s18 =	sadd.s32 s12, s2;
	s12 =	simm.s32 $0x2  }
0x10: {  	s14 =	simm.s32 $0x10000;
	s10 =	sadd.s32 s10, s13;
	s11 =	smax.u32 s15, $0x1  }
0x11: {  	s13 =	simm.s32 $0x4000;
	s15 =	simm.s32 $0x8000;
	s18 =	sshrl.u32 s18, $0x3  }
.LBB2_1:
0x12: {  	s20 =	simm.s32 @!p0 $0x0;
	s21 =	simm.s32 @!p0 $0x14000  }
0x13: {  	[tilespmem:s21], [sflag:$0x2] =	stream.linear.gather @!p0 [hbm4b:s5+s20], $0x80, $0x38;
	[tilespmem:$0x18088] =	vst v63  }
0x14: {  	s20 =	simm.s32 @!p0 $0x2  }
0x15: {  	_ =	swait.ge @!p0 [sflag:s20], $0x80  }
0x16: {  	[sflag:s20] =	ssyncset.done @!p0 $0x0  }
0x17: {  	[sflag:s20] =	ssyncadd.s32 @!p0 $0xFFFFFF80  }
0x18: {  	[spmem:s1] =	stream.linear.scatter @!p0 [tilespmem:s21], [sflag:$0x2], $0x80, $0x38;
	[tilespmem:$0x18088] =	vst v63  }
0x19: {  	_ =	swait.ge @!p0 [sflag:s20], $0x80  }
0x1a: {  	[sflag:s20] =	ssyncset.done @!p0 $0x0  }
0x1b: {  	[sflag:s20] =	ssyncadd.s32 @!p0 $0xFFFFFF80  }
0x1c: {  	[tilespmem:s3], [sflag:$0x2] =	stream.linear.gather [hbm4b:s6+s3], $0x4000, $0x38;
	[tilespmem:$0x18088] =	vst v63  }
0x1d: {  	_ =	swait.ge [sflag:s12], $0x4000  }
0x1e: {  	[sflag:s12] =	ssyncset.done $0x0  }
0x1f: {  	[sflag:s12] =	ssyncadd.s32 $0xFFFFC000  }
0x20: {  	[tilespmem:s13], [sflag:$0x2] =	stream.linear.gather [hbm4b:s7+s3], $0x4000, $0x38;
	[tilespmem:$0x18088] =	vst v63  }
0x21: {  	_ =	swait.ge [sflag:s12], $0x4000  }
0x22: {  	[sflag:s12] =	ssyncset.done $0x0  }
0x23: {  	[sflag:s12] =	ssyncadd.s32 $0xFFFFC000  }
0x24: {  	[tilespmem:s14], [sflag:$0x2] =	stream.linear.gather [hbm4b:s8+s3], $0x4000, $0x38;
	[tilespmem:$0x18088] =	vst v63  }
0x25: {  	_ =	swait.ge [sflag:s12], $0x4000  }
0x26: {  	[sflag:s12] =	ssyncset.done $0x0  }
0x27: {  	[sflag:s12] =	ssyncadd.s32 $0xFFFFC000  }
0x28: {  	[bflag:$0x0] =	sbarrier.arrive $0xFFFF  }
0x29: {  	[tilespmem:s15], [sflag:$0x1] =	stream.indirect.gather [spmem:s1], $0x1, s3, s13, $0xb8;
	[tilespmem:$0x18088] =	vst v63  }
0x2a: {  	_ =	swait.ge [sflag:s16], $0x4000  }
0x2b: {  	[sflag:s16] =	ssyncset.done $0x0  }
0x2c: {  	s20 =	simm.s32 $0x8040;
	[sflag:s16] =	ssyncadd.s32 $0xFFFFC000  }
0x2d: {  	s22 =	simm.s32 $0x4040;
	v0 =	vld [tilespmem:s20+$0xFFFFFFC0]  }
0x2e: {  	v1 =	vld [tilespmem:s22+$0xFFFFFFC0];
	_ =	sdelay $0x4  }
0x2f: {  	s21 =	simm.s32 $0xC040;
	v0 =	vadd.s32 v0, v1  }
0x30: {  	[tilespmem:s21+$0xFFFFFFC0] =	vst v0  }
0x31: {  	v0 =	vld [tilespmem:s22+$0xFFFFFFD0]  }
0x32: {  	v58 =	vld [tilespmem:s20+$0xFFFFFFD0];
	_ =	sdelay $0x4  }
0x33: {  	v0 =	vadd.s32 v58, v0  }
0x34: {  	[tilespmem:s21+$0xFFFFFFD0] =	vst v0  }
0x35: {  	v0 =	vld [tilespmem:s20+$0xFFFFFFE0]  }
0x36: {  	v59 =	vld [tilespmem:s22+$0xFFFFFFE0];
	_ =	sdelay $0x4  }
0x37: {  	v0 =	vadd.s32 v0, v59  }
0x38: {  	[tilespmem:s21+$0xFFFFFFE0] =	vst v0  }
0x39: {  	v0 =	vld [tilespmem:s20+$0xFFFFFFF0]  }
0x3a: {  	v60 =	vld [tilespmem:s22+$0xFFFFFFF0];
	_ =	sdelay $0x4  }
0x3b: {  	v0 =	vadd.s32 v0, v60  }
0x3c: {  	[tilespmem:s21+$0xFFFFFFF0] =	vst v0  }
0x3d: {  	v0 =	vld [tilespmem:s20+$0x0]  }
0x3e: {  	v61 =	vld [tilespmem:s22+$0x0];
	_ =	sdelay $0x4  }
0x3f: {  	v0 =	vadd.s32 v0, v61  }
0x40: {  	[tilespmem:s21+$0x0] =	vst v0  }
0x41: {  	v0 =	vld [tilespmem:s20+$0x10]  }
0x42: {  	v62 =	vld [tilespmem:s22+$0x10];
	_ =	sdelay $0x4  }
0x43: {  	v0 =	vadd.s32 v0, v62  }
0x44: {  	[tilespmem:s21+$0x10] =	vst v0  }
0x45: {  	v0 =	vld [tilespmem:s20+$0x20]  }
0x46: {  	v63 =	vld [tilespmem:s22+$0x20];
	_ =	sdelay $0x4  }
0x47: {  	v0 =	vadd.s32 v0, v63  }
0x48: {  	s23 =	simm.s32 $0x0;
	s25 =	simm.s32 $0xC0C0;
	s24 =	simm.s32 $0x4040;
	[tilespmem:s21+$0x20] =	vst v0  }
.LBB2_2:
0x49: {  	s23 =	sadd.s32 $0x8, s23;
	v0 =	vld [tilespmem:s20+$0x30];
	s20 =	sadd.s32 $0x80, s20;
	s22 =	sadd.s32 $0x80, s22  }
0x4a: {  	p2 =	slt.u32 s23, $0x3F8;
	v1 =	vld [tilespmem:s24+$0x30];
	s24 =	smov.u32 s22;
	_ =	sdelay $0x4  }
0x4b: {  	v0 =	vadd.s32 v0, v1  }
0x4c: {  	[tilespmem:s21+$0x30] =	vst v0;
	s21 =	smov.u32 s25  }
0x4d: {  	v0 =	vld [tilespmem:s20+$0xFFFFFFC0]  }
0x4e: {  	v1 =	vld [tilespmem:s22+$0xFFFFFFC0];
	_ =	sdelay $0x4  }
0x4f: {  	v0 =	vadd.s32 v0, v1  }
0x50: {  	[tilespmem:s25+$0xFFFFFFC0] =	vst v0  }
0x51: {  	v0 =	vld [tilespmem:s22+$0xFFFFFFD0]  }
0x52: {  	v1 =	vld [tilespmem:s20+$0xFFFFFFD0];
	_ =	sdelay $0x4  }
0x53: {  	v0 =	vadd.s32 v1, v0  }
0x54: {  	[tilespmem:s25+$0xFFFFFFD0] =	vst v0  }
0x55: {  	v0 =	vld [tilespmem:s20+$0xFFFFFFE0]  }
0x56: {  	v1 =	vld [tilespmem:s22+$0xFFFFFFE0];
	_ =	sdelay $0x4  }
0x57: {  	v0 =	vadd.s32 v0, v1  }
0x58: {  	[tilespmem:s25+$0xFFFFFFE0] =	vst v0  }
0x59: {  	v0 =	vld [tilespmem:s20+$0xFFFFFFF0]  }
0x5a: {  	v1 =	vld [tilespmem:s22+$0xFFFFFFF0];
	_ =	sdelay $0x4  }
0x5b: {  	v0 =	vadd.s32 v0, v1  }
0x5c: {  	[tilespmem:s25+$0xFFFFFFF0] =	vst v0  }
0x5d: {  	v0 =	vld [tilespmem:s20+$0x0]  }
0x5e: {  	v1 =	vld [tilespmem:s22+$0x0];
	_ =	sdelay $0x4  }
0x5f: {  	v0 =	vadd.s32 v0, v1  }
0x60: {  	[tilespmem:s25+$0x0] =	vst v0  }
0x61: {  	v0 =	vld [tilespmem:s20+$0x10]  }
0x62: {  	v1 =	vld [tilespmem:s22+$0x10];
	_ =	sdelay $0x4  }
0x63: {  	v0 =	vadd.s32 v0, v1  }
0x64: {  	[tilespmem:s25+$0x10] =	vst v0  }
0x65: {  	v0 =	vld [tilespmem:s20+$0x20]  }
0x66: {  	v1 =	vld [tilespmem:s22+$0x20];
	_ =	sdelay $0x1  }
.Ltmp0:
0x67: {  	(pc) =	sbr.rel @p2 .LBB2_2-.Ltmp0, $3  }
0x68: {  	_ =	sdelay $0x1  }
0x69: {  	v0 =	vadd.s32 v0, v1  }
0x6a: {  	s25 =	sadd.s32 $0x80, s25;
	[tilespmem:s21+$0x20] =	vst v0  }
0x6b: {  	v0 =	vld [tilespmem:s20+$0x30]  }
0x6c: {  	v1 =	vld [tilespmem:s24+$0x30];
	_ =	sdelay $0x4  }
0x6d: {  	v0 =	vadd.s32 v0, v1  }
0x6e: {  	s20 =	simm.s32 @!p1 $0x0;
	[tilespmem:s21+$0x30] =	vst v0;
	s21 =	simm.s32 @!p1 $0xC000  }
0x6f: {  	[hbm4b:s9+s20] =	stream.linear.scatter @!p1 [tilespmem:s21], [sflag:$0x2], $0x4000, $0x38;
	[tilespmem:$0x18088] =	vst v63  }
0x70: {  	s20 =	simm.s32 @!p1 $0x2  }
0x71: {  	_ =	swait.ge @!p1 [sflag:s20], $0x4000  }
0x72: {  	[sflag:s20] =	ssyncset.done @!p1 $0x0  }
0x73: {  	[sflag:s20] =	ssyncadd.s32 @!p1 $0xFFFFC000  }
0x74: {  	[spmem:s2] =	stream.indirect.scatter [tilespmem:s14], [sflag:$0x2], $0x1, s17, s13, $0xb8;
	[tilespmem:$0x18088] =	vst v63  }
0x75: {  	_ =	swait.ge [sflag:s12], $0x4000  }
0x76: {  	s19 =	sadd.s32 $0x1, s19;
	[sflag:s12] =	ssyncset.done $0x0  }
0x77: {  	s31 =	sshll.u32 s4, $0x6;
	p2 =	sne.s32 s19, s11;
	[sflag:s12] =	ssyncadd.s32 $0xFFFFC000  }
.Ltmp1:
0x78: {  	s20 =	sor.u32 $0x1C02, s31;
	[bflag:$0x0] =	sbarrier.arrive $0xFFFF;
	(pc) =	sbr.rel @p2 .LBB2_1-.Ltmp1, $4  }
0x79: {  	[hbm:s10], [sflag:s20] =	dma.local [spmem:s18], $0x400  }
0x7a: {  	_ =	swait.ge [sflag:s12], $0x400  }
0x7b: {  	[sflag:s12] =	ssyncset.done $0x0  }
0x7c: {  	[sflag:s12] =	ssyncadd.s32 $0xFFFFFC00  }
0x7d: {  	_ =	sfence.sel $0x180000  }
0x7e: {  	[bflag:$0x0] =	sbarrier.arrive $0xFFFF  }
0x7f: {  	_ =	strace $0x90000047  }
0x80: {  	s0 =	sadd.s32 @!p0 $0x100000, s0;
	[bflag:$0x2] =	sbarrier.arrive $0xFFFF  }
0x81: {  	[sflag:s0] =	ssyncadd.tile.s32 @!p0 $0x1;
	_ =	shalt  }
.Lfunc_end2:
_tile_overlayer_lowered:
.L_overlay_start_2:
0x82: {  	(tag) =	ssettag $0x2  }
0x83: {  	s0 =	rddreg [dreg:$0x0];
	s2 =	stileid.u32  }
0x84: {  	s1 =	rddreg [dreg:$0x1];
	p0 =	sne.s32 s2, $0x0  }
0x85: {  	s3 =	rddreg [dreg:$0x2];
	[bflag:$0x3] =	sbarrier.arrive $0xFFFF;
	s2 =	simm.s32 @!p0 $0x1C02  }
0x86: {  	[timem:s3], [sflag:s2] =	dma.local @!p0 [hbm:s0], s1  }
0x87: {  	s0 =	simm.s32 @!p0 $0x2  }
0x88: {  	_ =	swait.ge @!p0 [sflag:s0], s1  }
0x89: {  	s1 =	ssub.s32 @!p0 $0x0, s1;
	[sflag:s0] =	ssyncset.done @!p0 $0x0  }
0x8a: {  	[sflag:s0] =	ssyncadd.s32 @!p0 s1  }
0x8b: {  	[bflag:$0x3] =	sbarrier.arrive $0xFFFF  }
0x8c: {  	_ =	shalt  }

</sc_bundles>
